<compile_context>
chip_gen: v7x
topology: tpu7x:2x2x1
jax: 0.10.2.dev20260603
libtpu: 0.0.44.dev20260713+nightly
codegen_flags: <defaults>
</compile_context>

<pallas_src>
import functools

import jax
import jax.numpy as jnp
from jax import lax
from jax.experimental import pallas as pl
from jax.experimental.pallas import tpu as pltpu
from jax.experimental.pallas import tpu_sc as plsc

_VOCAB = 128
_D = 32
_NC = 2
_NS = 16
_NW = _NC * _NS
_R = 128
_CR = 8
_H = _CR // 2


@functools.lru_cache(maxsize=None)
def _make_kernel(nrows: int):
  rows_w = nrows // _NW
  nch = rows_w // _CR
  assert nrows % _NW == 0 and rows_w % _CR == 0 and nch % 2 == 0

  mesh = plsc.VectorSubcoreMesh(core_axis_name="c", subcore_axis_name="s")

  @functools.partial(
      pl.kernel,
      out_type=jax.ShapeDtypeStruct((nrows, _R, _D), jnp.float32),
      mesh=mesh,
      compiler_params=pltpu.CompilerParams(
          needs_layout_passes=False, use_tc_tiling_on_sc=False),
      scratch_types=[
          pltpu.VMEM_SHARED((_VOCAB, _D), jnp.float32),
          pltpu.VMEM((_CR, _R), jnp.int32),
          pltpu.VMEM((_CR, _R), jnp.int32),
          pltpu.VMEM((_CR, _R, _D), jnp.float32),
          pltpu.VMEM((_CR, _R, _D), jnp.float32),
          pltpu.SemaphoreType.DMA,
          pltpu.SemaphoreType.DMA,
          pltpu.SemaphoreType.DMA,
          pltpu.SemaphoreType.DMA,
          pltpu.SemaphoreType.DMA,
          pltpu.SemaphoreType.DMA,
          pltpu.SemaphoreType.DMA,
      ],
  )
  def emb(x_hbm, table_hbm, out_hbm,
          table_sh, iv0, iv1, ov0, ov1,
          si0, si1, sg, soa0, sob0, soa1, sob1):
    wid = lax.axis_index("s") * _NC + lax.axis_index("c")
    w_base = wid * rows_w
    ivs = (iv0, iv1)
    ovs = (ov0, ov1)
    sis = (si0, si1)
    sos = ((soa0, sob0), (soa1, sob1))

    @pl.when(lax.axis_index("s") == 0)
    def _():
      pltpu.sync_copy(table_hbm, table_sh)
    plsc.subcore_barrier()

    for b in range(2):
      pltpu.async_copy(
          x_hbm.at[pl.ds(w_base + b * _CR, _CR)], ivs[b], sis[b])

    def outer(gi, carry):
      for b in range(2):
        g = gi * 2 + b
        iv, ov, si = ivs[b], ovs[b], sis[b]
        so = sos[b]
        base = w_base + g * _CR

        pltpu.make_async_copy(x_hbm.at[pl.ds(w_base, _CR)], iv, si).wait()

        @pl.when(gi > 0)
        def _():
          for h in range(2):
            pltpu.make_async_copy(
                ov.at[pl.ds(h * _H, _H)],
                out_hbm.at[pl.ds(w_base, _H)], so[h]).wait()

        gathers = [
            pltpu.async_copy(table_sh.at[iv.at[r]], ov.at[r], sg)
            for r in range(_CR)
        ]
        for hnd in gathers:
          hnd.wait()

        nxt = jnp.minimum(g + 2, nch - 1)
        pltpu.async_copy(x_hbm.at[pl.ds(w_base + nxt * _CR, _CR)], iv, si)
        for h in range(2):
          pltpu.async_copy(
              ov.at[pl.ds(h * _H, _H)],
              out_hbm.at[pl.ds(base + h * _H, _H)], so[h])
      return carry

    lax.fori_loop(0, nch // 2, outer, 0, unroll=False)

    for b in range(2):
      pltpu.make_async_copy(
          x_hbm.at[pl.ds(w_base, _CR)], ivs[b], sis[b]).wait()
      for h in range(2):
        pltpu.make_async_copy(
            ovs[b].at[pl.ds(h * _H, _H)],
            out_hbm.at[pl.ds(w_base, _H)], sos[b][h]).wait()

  return emb


def kernel(x, table):
  xf = x.reshape(-1, _R).astype(jnp.int32)
  out = _make_kernel(xf.shape[0])(xf, table)
  return out.reshape(*x.shape, _D)

# --- scband reference (transcript-rebuilt; emitter-appended) ---
"""Pipeline reference for scband-character-embedding-17351667876361 (READ-ONLY COPY).

The authoritative reference and input builder live on the scoring server;
editing this copy changes nothing except your own understanding.
"""

import jax, jax.numpy as jnp
import numpy as np

VOCAB_SIZE = 128
EMBED_DIM = 32

def setup_inputs(seed: int = 0) -> dict:
    key = jax.random.key(seed)
    k_idx, k_tab = jax.random.split(key)
    x = jax.random.randint(k_idx, (16384, 200), 0, VOCAB_SIZE, dtype=jnp.int64 if jax.config.jax_enable_x64 else jnp.int32)
    table = jax.random.normal(k_tab, (VOCAB_SIZE, EMBED_DIM), dtype=jnp.float32)
    # padding_idx=0: torch zeroes the padding row at init
    table = table.at[0].set(0.0)
    return {"x": x, "table": table}

def reference(x, table):
    # nn.Embedding forward: pure row gather
    return jnp.take(table, x, axis=0)

if __name__ == "__main__":
    import jax
    _d = setup_inputs()
    print(jax.jit(kernel)(*tuple(_d.values())))

</pallas_src>

<mosaic_0001>
#map = affine_map<(d0, d1) -> (0, 0)>
#map1 = affine_map<(d0, d1) -> (0, 0, 0)>
module attributes {stable_mosaic.version = 14 : i64} {
  func.func @emb(%arg0: i32, %arg1: i32, %arg2: memref<25600x128xi32, #tpu.memory_space<hbm>>, %arg3: memref<128x32xf32, #tpu.memory_space<hbm>>, %arg4: memref<25600x128x32xf32, #tpu.memory_space<hbm>>, %arg5: memref<128x32xf32, #tpu.memory_space<vmem_shared>>, %arg6: memref<8x128xi32, #tpu.memory_space<vmem>>, %arg7: memref<8x128xi32, #tpu.memory_space<vmem>>, %arg8: memref<8x128x32xf32, #tpu.memory_space<vmem>>, %arg9: memref<8x128x32xf32, #tpu.memory_space<vmem>>, %arg10: memref<!tpu.dma_semaphore, #tpu.memory_space<semaphore_mem>>, %arg11: memref<!tpu.dma_semaphore, #tpu.memory_space<semaphore_mem>>, %arg12: memref<!tpu.dma_semaphore, #tpu.memory_space<semaphore_mem>>, %arg13: memref<!tpu.dma_semaphore, #tpu.memory_space<semaphore_mem>>, %arg14: memref<!tpu.dma_semaphore, #tpu.memory_space<semaphore_mem>>, %arg15: memref<!tpu.dma_semaphore, #tpu.memory_space<semaphore_mem>>, %arg16: memref<!tpu.dma_semaphore, #tpu.memory_space<semaphore_mem>>) attributes {dimension_semantics = [#tpu.dimension_semantics<core_parallel>, #tpu.dimension_semantics<subcore_parallel>], iteration_bounds = array<i64: 2, 16>, scalar_prefetch = 0 : i64, scratch_operands = 12 : i64, tpu.core_type = #tpu.core_type<sc_vector_subcore>, window_params = [{transform_indices = #map}, {transform_indices = #map}, {transform_indices = #map1}]} {
    %mul3A = arith.constant 2 : i32
    %mul3A_0 = arith.muli %arg1, %mul3A : i32
    %add3A = arith.addi %mul3A_0, %arg0 : i32
    %mul3A_1 = arith.constant 800 : i32
    %mul3A_2 = arith.muli %add3A, %mul3A_1 : i32
    %eq3A = arith.constant 0 : i32
    %eq3A_3 = arith.cmpi eq, %arg1, %eq3A : i32
    %convert_element_type3A = arith.extui %eq3A_3 : i1 to i32
    %cond3A = arith.constant 0 : i32
    %cond3A_4 = arith.cmpi ne, %convert_element_type3A, %cond3A : i32
    scf.if %cond3A_4 {
      "tpu.region"() ({
        %run_scoped3A = tpu.sem_alloc : memref<!tpu.dma_semaphore, #tpu.memory_space<semaphore_mem>>
        tpu.enqueue_dma source(%arg3 : memref<128x32xf32, #tpu.memory_space<hbm>>) target(%arg5 : memref<128x32xf32, #tpu.memory_space<vmem_shared>>) target_semaphore(%run_scoped3A : memref<!tpu.dma_semaphore, #tpu.memory_space<semaphore_mem>>)
        tpu.wait_dma2 semaphore(%run_scoped3A : memref<!tpu.dma_semaphore, #tpu.memory_space<semaphore_mem>>) src(%arg3 : memref<128x32xf32, #tpu.memory_space<hbm>>) dst(%arg5 : memref<128x32xf32, #tpu.memory_space<vmem_shared>>)
        tpu.yield
      }) : () -> ()
    } else {
    }
    %barrier3A = arith.constant 0 : index
    tpu.barrier barrier_id(%barrier3A)
    %add3A_5 = arith.constant 0 : i32
    %add3A_6 = arith.addi %mul3A_2, %add3A_5 : i32
    %dma_start3A = arith.constant 0 : i32
    %dma_start3A_7 = tpu.memref_slice %arg2[%add3A_6, %dma_start3A] : memref<25600x128xi32, #tpu.memory_space<hbm>> -> memref<8x128xi32, #tpu.memory_space<hbm>>
    %dma_start3A_8 = arith.constant 0 : i32
    %dma_start3A_9 = tpu.memref_slice %arg2[%add3A_6, %dma_start3A_8] : memref<25600x128xi32, #tpu.memory_space<hbm>> -> memref<8x128xi32, #tpu.memory_space<hbm>>
    tpu.enqueue_dma source(%dma_start3A_9 : memref<8x128xi32, #tpu.memory_space<hbm>>) target(%arg6 : memref<8x128xi32, #tpu.memory_space<vmem>>) target_semaphore(%arg10 : memref<!tpu.dma_semaphore, #tpu.memory_space<semaphore_mem>>)
    %add3A_10 = arith.constant 8 : i32
    %add3A_11 = arith.addi %mul3A_2, %add3A_10 : i32
    %dma_start3A_12 = arith.constant 0 : i32
    %dma_start3A_13 = tpu.memref_slice %arg2[%add3A_11, %dma_start3A_12] : memref<25600x128xi32, #tpu.memory_space<hbm>> -> memref<8x128xi32, #tpu.memory_space<hbm>>
    %dma_start3A_14 = arith.constant 0 : i32
    %dma_start3A_15 = tpu.memref_slice %arg2[%add3A_11, %dma_start3A_14] : memref<25600x128xi32, #tpu.memory_space<hbm>> -> memref<8x128xi32, #tpu.memory_space<hbm>>
    tpu.enqueue_dma source(%dma_start3A_15 : memref<8x128xi32, #tpu.memory_space<hbm>>) target(%arg7 : memref<8x128xi32, #tpu.memory_space<vmem>>) target_semaphore(%arg11 : memref<!tpu.dma_semaphore, #tpu.memory_space<semaphore_mem>>)
    %scan3A = arith.constant 0 : i32
    %scan3A_16 = arith.constant 0 : i32
    %scan3A_17 = arith.constant 50 : i32
    %scan3A_18 = arith.addi %scan3A_16, %scan3A_17 : i32
    %scan3A_19 = arith.constant 1 : i32
    scf.for %scan3A_84 = %scan3A_16 to %scan3A_18 step %scan3A_19  : i32 {
      %mul3A_85 = arith.constant 2 : i32
      %mul3A_86 = arith.muli %scan3A_84, %mul3A_85 : i32
      %add3A_87 = arith.constant 0 : i32
      %add3A_88 = arith.addi %mul3A_86, %add3A_87 : i32
      %mul3A_89 = arith.constant 8 : i32
      %mul3A_90 = arith.muli %add3A_88, %mul3A_89 : i32
      %add3A_91 = arith.addi %mul3A_2, %mul3A_90 : i32
      %dma_wait3A_92 = arith.constant 0 : i32
      %dma_wait3A_93 = tpu.memref_slice %arg2[%mul3A_2, %dma_wait3A_92] : memref<25600x128xi32, #tpu.memory_space<hbm>> -> memref<8x128xi32, #tpu.memory_space<hbm>>
      %dma_wait3A_94 = arith.constant 0 : i32
      %dma_wait3A_95 = tpu.memref_slice %arg2[%mul3A_2, %dma_wait3A_94] : memref<25600x128xi32, #tpu.memory_space<hbm>> -> memref<8x128xi32, #tpu.memory_space<hbm>>
      tpu.wait_dma2 semaphore(%arg10 : memref<!tpu.dma_semaphore, #tpu.memory_space<semaphore_mem>>) src(%dma_wait3A_95 : memref<8x128xi32, #tpu.memory_space<hbm>>) dst(%arg6 : memref<8x128xi32, #tpu.memory_space<vmem>>)
      %gt3A = arith.constant 0 : i32
      %gt3A_96 = arith.cmpi sgt, %scan3A_84, %gt3A : i32
      %convert_element_type3A_97 = arith.extui %gt3A_96 : i1 to i32
      %cond3A_98 = arith.constant 0 : i32
      %cond3A_99 = arith.cmpi ne, %convert_element_type3A_97, %cond3A_98 : i32
      scf.if %cond3A_99 {
        %dma_wait3A_585 = arith.constant 0 : i32
        %dma_wait3A_586 = arith.constant 0 : i32
        %dma_wait3A_587 = arith.constant 0 : i32
        %dma_wait3A_588 = tpu.memref_slice %arg8[%dma_wait3A_585, %dma_wait3A_586, %dma_wait3A_587] : memref<8x128x32xf32, #tpu.memory_space<vmem>> -> memref<4x128x32xf32, #tpu.memory_space<vmem>>
        %dma_wait3A_589 = arith.constant 0 : i32
        %dma_wait3A_590 = arith.constant 0 : i32
        %dma_wait3A_591 = tpu.memref_slice %arg4[%mul3A_2, %dma_wait3A_589, %dma_wait3A_590] : memref<25600x128x32xf32, #tpu.memory_space<hbm>> -> memref<4x128x32xf32, #tpu.memory_space<hbm>>
        %dma_wait3A_592 = arith.constant 0 : i32
        %dma_wait3A_593 = arith.constant 0 : i32
        %dma_wait3A_594 = tpu.memref_slice %arg4[%mul3A_2, %dma_wait3A_592, %dma_wait3A_593] : memref<25600x128x32xf32, #tpu.memory_space<hbm>> -> memref<4x128x32xf32, #tpu.memory_space<hbm>>
        %dma_wait3A_595 = arith.constant 0 : i32
        %dma_wait3A_596 = arith.constant 0 : i32
        %dma_wait3A_597 = arith.constant 0 : i32
        %dma_wait3A_598 = tpu.memref_slice %arg8[%dma_wait3A_595, %dma_wait3A_596, %dma_wait3A_597] : memref<8x128x32xf32, #tpu.memory_space<vmem>> -> memref<4x128x32xf32, #tpu.memory_space<vmem>>
        tpu.wait_dma2 semaphore(%arg13 : memref<!tpu.dma_semaphore, #tpu.memory_space<semaphore_mem>>) src(%dma_wait3A_598 : memref<4x128x32xf32, #tpu.memory_space<vmem>>) dst(%dma_wait3A_594 : memref<4x128x32xf32, #tpu.memory_space<hbm>>)
        %dma_wait3A_599 = arith.constant 4 : i32
        %dma_wait3A_600 = arith.constant 0 : i32
        %dma_wait3A_601 = arith.constant 0 : i32
        %dma_wait3A_602 = tpu.memref_slice %arg8[%dma_wait3A_599, %dma_wait3A_600, %dma_wait3A_601] : memref<8x128x32xf32, #tpu.memory_space<vmem>> -> memref<4x128x32xf32, #tpu.memory_space<vmem>>
        %dma_wait3A_603 = arith.constant 0 : i32
        %dma_wait3A_604 = arith.constant 0 : i32
        %dma_wait3A_605 = tpu.memref_slice %arg4[%mul3A_2, %dma_wait3A_603, %dma_wait3A_604] : memref<25600x128x32xf32, #tpu.memory_space<hbm>> -> memref<4x128x32xf32, #tpu.memory_space<hbm>>
        %dma_wait3A_606 = arith.constant 0 : i32
        %dma_wait3A_607 = arith.constant 0 : i32
        %dma_wait3A_608 = tpu.memref_slice %arg4[%mul3A_2, %dma_wait3A_606, %dma_wait3A_607] : memref<25600x128x32xf32, #tpu.memory_space<hbm>> -> memref<4x128x32xf32, #tpu.memory_space<hbm>>
        %dma_wait3A_609 = arith.constant 4 : i32
        %dma_wait3A_610 = arith.constant 0 : i32
        %dma_wait3A_611 = arith.constant 0 : i32
        %dma_wait3A_612 = tpu.memref_slice %arg8[%dma_wait3A_609, %dma_wait3A_610, %dma_wait3A_611] : memref<8x128x32xf32, #tpu.memory_space<vmem>> -> memref<4x128x32xf32, #tpu.memory_space<vmem>>
        tpu.wait_dma2 semaphore(%arg14 : memref<!tpu.dma_semaphore, #tpu.memory_space<semaphore_mem>>) src(%dma_wait3A_612 : memref<4x128x32xf32, #tpu.memory_space<vmem>>) dst(%dma_wait3A_608 : memref<4x128x32xf32, #tpu.memory_space<hbm>>)
      } else {
      }
      %dma_start3A_100 = arith.constant 0 : i32
      %dma_start3A_101 = arith.constant 0 : i32
      %dma_start3A_102 = arith.constant 0 : i32
      %dma_start3A_103 = arith.constant 0 : i32
      %dma_start3A_104 = tpu.memref_slice %arg8[%dma_start3A_101, %dma_start3A_102, %dma_start3A_103] : memref<8x128x32xf32, #tpu.memory_space<vmem>> -> memref<1x128x32xf32, #tpu.memory_space<vmem>>
      %dma_start3A_105 = tpu.memref_squeeze %dma_start3A_104 : memref<1x128x32xf32, #tpu.memory_space<vmem>> -> memref<128x32xf32, #tpu.memory_space<vmem>>
      %dma_start3A_106 = arith.constant 0 : i32
      %dma_start3A_107 = tpu.memref_slice %arg6[%dma_start3A_100, %dma_start3A_106] : memref<8x128xi32, #tpu.memory_space<vmem>> -> memref<1x128xi32, #tpu.memory_space<vmem>>
      %dma_start3A_108 = tpu.memref_squeeze %dma_start3A_107 : memref<1x128xi32, #tpu.memory_space<vmem>> -> memref<128xi32, #tpu.memory_space<vmem>>
      %dma_start3A_109 = arith.constant 0 : i32
      %dma_start3A_110 = arith.constant 0 : i32
      %dma_start3A_111 = tpu.memref_slice %arg5[%dma_start3A_109, %dma_start3A_110] : memref<128x32xf32, #tpu.memory_space<vmem_shared>> -> memref<128x32xf32, #tpu.memory_space<vmem_shared>>
      tpu.enqueue_indirect_dma source(%dma_start3A_111 : memref<128x32xf32, #tpu.memory_space<vmem_shared>>) target(%dma_start3A_105 : memref<128x32xf32, #tpu.memory_space<vmem>>) offsets(%dma_start3A_108 : memref<128xi32, #tpu.memory_space<vmem>>) semaphore(%arg12 : memref<!tpu.dma_semaphore, #tpu.memory_space<semaphore_mem>>)
      %dma_start3A_112 = arith.constant 1 : i32
      %dma_start3A_113 = arith.constant 1 : i32
      %dma_start3A_114 = arith.constant 0 : i32
      %dma_start3A_115 = arith.constant 0 : i32
      %dma_start3A_116 = tpu.memref_slice %arg8[%dma_start3A_113, %dma_start3A_114, %dma_start3A_115] : memref<8x128x32xf32, #tpu.memory_space<vmem>> -> memref<1x128x32xf32, #tpu.memory_space<vmem>>
      %dma_start3A_117 = tpu.memref_squeeze %dma_start3A_116 : memref<1x128x32xf32, #tpu.memory_space<vmem>> -> memref<128x32xf32, #tpu.memory_space<vmem>>
      %dma_start3A_118 = arith.constant 0 : i32
      %dma_start3A_119 = tpu.memref_slice %arg6[%dma_start3A_112, %dma_start3A_118] : memref<8x128xi32, #tpu.memory_space<vmem>> -> memref<1x128xi32, #tpu.memory_space<vmem>>
      %dma_start3A_120 = tpu.memref_squeeze %dma_start3A_119 : memref<1x128xi32, #tpu.memory_space<vmem>> -> memref<128xi32, #tpu.memory_space<vmem>>
      %dma_start3A_121 = arith.constant 0 : i32
      %dma_start3A_122 = arith.constant 0 : i32
      %dma_start3A_123 = tpu.memref_slice %arg5[%dma_start3A_121, %dma_start3A_122] : memref<128x32xf32, #tpu.memory_space<vmem_shared>> -> memref<128x32xf32, #tpu.memory_space<vmem_shared>>
      tpu.enqueue_indirect_dma source(%dma_start3A_123 : memref<128x32xf32, #tpu.memory_space<vmem_shared>>) target(%dma_start3A_117 : memref<128x32xf32, #tpu.memory_space<vmem>>) offsets(%dma_start3A_120 : memref<128xi32, #tpu.memory_space<vmem>>) semaphore(%arg12 : memref<!tpu.dma_semaphore, #tpu.memory_space<semaphore_mem>>)
      %dma_start3A_124 = arith.constant 2 : i32
      %dma_start3A_125 = arith.constant 2 : i32
      %dma_start3A_126 = arith.constant 0 : i32
      %dma_start3A_127 = arith.constant 0 : i32
      %dma_start3A_128 = tpu.memref_slice %arg8[%dma_start3A_125, %dma_start3A_126, %dma_start3A_127] : memref<8x128x32xf32, #tpu.memory_space<vmem>> -> memref<1x128x32xf32, #tpu.memory_space<vmem>>
      %dma_start3A_129 = tpu.memref_squeeze %dma_start3A_128 : memref<1x128x32xf32, #tpu.memory_space<vmem>> -> memref<128x32xf32, #tpu.memory_space<vmem>>
      %dma_start3A_130 = arith.constant 0 : i32
      %dma_start3A_131 = tpu.memref_slice %arg6[%dma_start3A_124, %dma_start3A_130] : memref<8x128xi32, #tpu.memory_space<vmem>> -> memref<1x128xi32, #tpu.memory_space<vmem>>
      %dma_start3A_132 = tpu.memref_squeeze %dma_start3A_131 : memref<1x128xi32, #tpu.memory_space<vmem>> -> memref<128xi32, #tpu.memory_space<vmem>>
      %dma_start3A_133 = arith.constant 0 : i32
      %dma_start3A_134 = arith.constant 0 : i32
      %dma_start3A_135 = tpu.memref_slice %arg5[%dma_start3A_133, %dma_start3A_134] : memref<128x32xf32, #tpu.memory_space<vmem_shared>> -> memref<128x32xf32, #tpu.memory_space<vmem_shared>>
      tpu.enqueue_indirect_dma source(%dma_start3A_135 : memref<128x32xf32, #tpu.memory_space<vmem_shared>>) target(%dma_start3A_129 : memref<128x32xf32, #tpu.memory_space<vmem>>) offsets(%dma_start3A_132 : memref<128xi32, #tpu.memory_space<vmem>>) semaphore(%arg12 : memref<!tpu.dma_semaphore, #tpu.memory_space<semaphore_mem>>)
      %dma_start3A_136 = arith.constant 3 : i32
      %dma_start3A_137 = arith.constant 3 : i32
      %dma_start3A_138 = arith.constant 0 : i32
      %dma_start3A_139 = arith.constant 0 : i32
      %dma_start3A_140 = tpu.memref_slice %arg8[%dma_start3A_137, %dma_start3A_138, %dma_start3A_139] : memref<8x128x32xf32, #tpu.memory_space<vmem>> -> memref<1x128x32xf32, #tpu.memory_space<vmem>>
      %dma_start3A_141 = tpu.memref_squeeze %dma_start3A_140 : memref<1x128x32xf32, #tpu.memory_space<vmem>> -> memref<128x32xf32, #tpu.memory_space<vmem>>
      %dma_start3A_142 = arith.constant 0 : i32
      %dma_start3A_143 = tpu.memref_slice %arg6[%dma_start3A_136, %dma_start3A_142] : memref<8x128xi32, #tpu.memory_space<vmem>> -> memref<1x128xi32, #tpu.memory_space<vmem>>
      %dma_start3A_144 = tpu.memref_squeeze %dma_start3A_143 : memref<1x128xi32, #tpu.memory_space<vmem>> -> memref<128xi32, #tpu.memory_space<vmem>>
      %dma_start3A_145 = arith.constant 0 : i32
      %dma_start3A_146 = arith.constant 0 : i32
      %dma_start3A_147 = tpu.memref_slice %arg5[%dma_start3A_145, %dma_start3A_146] : memref<128x32xf32, #tpu.memory_space<vmem_shared>> -> memref<128x32xf32, #tpu.memory_space<vmem_shared>>
      tpu.enqueue_indirect_dma source(%dma_start3A_147 : memref<128x32xf32, #tpu.memory_space<vmem_shared>>) target(%dma_start3A_141 : memref<128x32xf32, #tpu.memory_space<vmem>>) offsets(%dma_start3A_144 : memref<128xi32, #tpu.memory_space<vmem>>) semaphore(%arg12 : memref<!tpu.dma_semaphore, #tpu.memory_space<semaphore_mem>>)
      %dma_start3A_148 = arith.constant 4 : i32
      %dma_start3A_149 = arith.constant 4 : i32
      %dma_start3A_150 = arith.constant 0 : i32
      %dma_start3A_151 = arith.constant 0 : i32
      %dma_start3A_152 = tpu.memref_slice %arg8[%dma_start3A_149, %dma_start3A_150, %dma_start3A_151] : memref<8x128x32xf32, #tpu.memory_space<vmem>> -> memref<1x128x32xf32, #tpu.memory_space<vmem>>
      %dma_start3A_153 = tpu.memref_squeeze %dma_start3A_152 : memref<1x128x32xf32, #tpu.memory_space<vmem>> -> memref<128x32xf32, #tpu.memory_space<vmem>>
      %dma_start3A_154 = arith.constant 0 : i32
      %dma_start3A_155 = tpu.memref_slice %arg6[%dma_start3A_148, %dma_start3A_154] : memref<8x128xi32, #tpu.memory_space<vmem>> -> memref<1x128xi32, #tpu.memory_space<vmem>>
      %dma_start3A_156 = tpu.memref_squeeze %dma_start3A_155 : memref<1x128xi32, #tpu.memory_space<vmem>> -> memref<128xi32, #tpu.memory_space<vmem>>
      %dma_start3A_157 = arith.constant 0 : i32
      %dma_start3A_158 = arith.constant 0 : i32
      %dma_start3A_159 = tpu.memref_slice %arg5[%dma_start3A_157, %dma_start3A_158] : memref<128x32xf32, #tpu.memory_space<vmem_shared>> -> memref<128x32xf32, #tpu.memory_space<vmem_shared>>
      tpu.enqueue_indirect_dma source(%dma_start3A_159 : memref<128x32xf32, #tpu.memory_space<vmem_shared>>) target(%dma_start3A_153 : memref<128x32xf32, #tpu.memory_space<vmem>>) offsets(%dma_start3A_156 : memref<128xi32, #tpu.memory_space<vmem>>) semaphore(%arg12 : memref<!tpu.dma_semaphore, #tpu.memory_space<semaphore_mem>>)
      %dma_start3A_160 = arith.constant 5 : i32
      %dma_start3A_161 = arith.constant 5 : i32
      %dma_start3A_162 = arith.constant 0 : i32
      %dma_start3A_163 = arith.constant 0 : i32
      %dma_start3A_164 = tpu.memref_slice %arg8[%dma_start3A_161, %dma_start3A_162, %dma_start3A_163] : memref<8x128x32xf32, #tpu.memory_space<vmem>> -> memref<1x128x32xf32, #tpu.memory_space<vmem>>
      %dma_start3A_165 = tpu.memref_squeeze %dma_start3A_164 : memref<1x128x32xf32, #tpu.memory_space<vmem>> -> memref<128x32xf32, #tpu.memory_space<vmem>>
      %dma_start3A_166 = arith.constant 0 : i32
      %dma_start3A_167 = tpu.memref_slice %arg6[%dma_start3A_160, %dma_start3A_166] : memref<8x128xi32, #tpu.memory_space<vmem>> -> memref<1x128xi32, #tpu.memory_space<vmem>>
      %dma_start3A_168 = tpu.memref_squeeze %dma_start3A_167 : memref<1x128xi32, #tpu.memory_space<vmem>> -> memref<128xi32, #tpu.memory_space<vmem>>
      %dma_start3A_169 = arith.constant 0 : i32
      %dma_start3A_170 = arith.constant 0 : i32
      %dma_start3A_171 = tpu.memref_slice %arg5[%dma_start3A_169, %dma_start3A_170] : memref<128x32xf32, #tpu.memory_space<vmem_shared>> -> memref<128x32xf32, #tpu.memory_space<vmem_shared>>
      tpu.enqueue_indirect_dma source(%dma_start3A_171 : memref<128x32xf32, #tpu.memory_space<vmem_shared>>) target(%dma_start3A_165 : memref<128x32xf32, #tpu.memory_space<vmem>>) offsets(%dma_start3A_168 : memref<128xi32, #tpu.memory_space<vmem>>) semaphore(%arg12 : memref<!tpu.dma_semaphore, #tpu.memory_space<semaphore_mem>>)
      %dma_start3A_172 = arith.constant 6 : i32
      %dma_start3A_173 = arith.constant 6 : i32
      %dma_start3A_174 = arith.constant 0 : i32
      %dma_start3A_175 = arith.constant 0 : i32
      %dma_start3A_176 = tpu.memref_slice %arg8[%dma_start3A_173, %dma_start3A_174, %dma_start3A_175] : memref<8x128x32xf32, #tpu.memory_space<vmem>> -> memref<1x128x32xf32, #tpu.memory_space<vmem>>
      %dma_start3A_177 = tpu.memref_squeeze %dma_start3A_176 : memref<1x128x32xf32, #tpu.memory_space<vmem>> -> memref<128x32xf32, #tpu.memory_space<vmem>>
      %dma_start3A_178 = arith.constant 0 : i32
      %dma_start3A_179 = tpu.memref_slice %arg6[%dma_start3A_172, %dma_start3A_178] : memref<8x128xi32, #tpu.memory_space<vmem>> -> memref<1x128xi32, #tpu.memory_space<vmem>>
      %dma_start3A_180 = tpu.memref_squeeze %dma_start3A_179 : memref<1x128xi32, #tpu.memory_space<vmem>> -> memref<128xi32, #tpu.memory_space<vmem>>
      %dma_start3A_181 = arith.constant 0 : i32
      %dma_start3A_182 = arith.constant 0 : i32
      %dma_start3A_183 = tpu.memref_slice %arg5[%dma_start3A_181, %dma_start3A_182] : memref<128x32xf32, #tpu.memory_space<vmem_shared>> -> memref<128x32xf32, #tpu.memory_space<vmem_shared>>
      tpu.enqueue_indirect_dma source(%dma_start3A_183 : memref<128x32xf32, #tpu.memory_space<vmem_shared>>) target(%dma_start3A_177 : memref<128x32xf32, #tpu.memory_space<vmem>>) offsets(%dma_start3A_180 : memref<128xi32, #tpu.memory_space<vmem>>) semaphore(%arg12 : memref<!tpu.dma_semaphore, #tpu.memory_space<semaphore_mem>>)
      %dma_start3A_184 = arith.constant 7 : i32
      %dma_start3A_185 = arith.constant 7 : i32
      %dma_start3A_186 = arith.constant 0 : i32
      %dma_start3A_187 = arith.constant 0 : i32
      %dma_start3A_188 = tpu.memref_slice %arg8[%dma_start3A_185, %dma_start3A_186, %dma_start3A_187] : memref<8x128x32xf32, #tpu.memory_space<vmem>> -> memref<1x128x32xf32, #tpu.memory_space<vmem>>
      %dma_start3A_189 = tpu.memref_squeeze %dma_start3A_188 : memref<1x128x32xf32, #tpu.memory_space<vmem>> -> memref<128x32xf32, #tpu.memory_space<vmem>>
      %dma_start3A_190 = arith.constant 0 : i32
      %dma_start3A_191 = tpu.memref_slice %arg6[%dma_start3A_184, %dma_start3A_190] : memref<8x128xi32, #tpu.memory_space<vmem>> -> memref<1x128xi32, #tpu.memory_space<vmem>>
      %dma_start3A_192 = tpu.memref_squeeze %dma_start3A_191 : memref<1x128xi32, #tpu.memory_space<vmem>> -> memref<128xi32, #tpu.memory_space<vmem>>
      %dma_start3A_193 = arith.constant 0 : i32
      %dma_start3A_194 = arith.constant 0 : i32
      %dma_start3A_195 = tpu.memref_slice %arg5[%dma_start3A_193, %dma_start3A_194] : memref<128x32xf32, #tpu.memory_space<vmem_shared>> -> memref<128x32xf32, #tpu.memory_space<vmem_shared>>
      tpu.enqueue_indirect_dma source(%dma_start3A_195 : memref<128x32xf32, #tpu.memory_space<vmem_shared>>) target(%dma_start3A_189 : memref<128x32xf32, #tpu.memory_space<vmem>>) offsets(%dma_start3A_192 : memref<128xi32, #tpu.memory_space<vmem>>) semaphore(%arg12 : memref<!tpu.dma_semaphore, #tpu.memory_space<semaphore_mem>>)
      %dma_wait3A_196 = arith.constant 0 : i32
      %dma_wait3A_197 = arith.constant 0 : i32
      %dma_wait3A_198 = arith.constant 0 : i32
      %dma_wait3A_199 = arith.constant 0 : i32
      %dma_wait3A_200 = tpu.memref_slice %arg8[%dma_wait3A_197, %dma_wait3A_198, %dma_wait3A_199] : memref<8x128x32xf32, #tpu.memory_space<vmem>> -> memref<1x128x32xf32, #tpu.memory_space<vmem>>
      %dma_wait3A_201 = tpu.memref_squeeze %dma_wait3A_200 : memref<1x128x32xf32, #tpu.memory_space<vmem>> -> memref<128x32xf32, #tpu.memory_space<vmem>>
      %dma_wait3A_202 = arith.constant 0 : i32
      %dma_wait3A_203 = tpu.memref_slice %arg6[%dma_wait3A_196, %dma_wait3A_202] : memref<8x128xi32, #tpu.memory_space<vmem>> -> memref<1x128xi32, #tpu.memory_space<vmem>>
      %dma_wait3A_204 = tpu.memref_squeeze %dma_wait3A_203 : memref<1x128xi32, #tpu.memory_space<vmem>> -> memref<128xi32, #tpu.memory_space<vmem>>
      %dma_wait3A_205 = arith.constant 0 : i32
      %dma_wait3A_206 = arith.constant 0 : i32
      %dma_wait3A_207 = tpu.memref_slice %arg5[%dma_wait3A_205, %dma_wait3A_206] : memref<128x32xf32, #tpu.memory_space<vmem_shared>> -> memref<128x32xf32, #tpu.memory_space<vmem_shared>>
      tpu.wait_indirect_dma semaphore(%arg12 : memref<!tpu.dma_semaphore, #tpu.memory_space<semaphore_mem>>) src(%dma_wait3A_207 : memref<128x32xf32, #tpu.memory_space<vmem_shared>>) dst(%dma_wait3A_201 : memref<128x32xf32, #tpu.memory_space<vmem>>)
      %dma_wait3A_208 = arith.constant 1 : i32
      %dma_wait3A_209 = arith.constant 1 : i32
      %dma_wait3A_210 = arith.constant 0 : i32
      %dma_wait3A_211 = arith.constant 0 : i32
      %dma_wait3A_212 = tpu.memref_slice %arg8[%dma_wait3A_209, %dma_wait3A_210, %dma_wait3A_211] : memref<8x128x32xf32, #tpu.memory_space<vmem>> -> memref<1x128x32xf32, #tpu.memory_space<vmem>>
      %dma_wait3A_213 = tpu.memref_squeeze %dma_wait3A_212 : memref<1x128x32xf32, #tpu.memory_space<vmem>> -> memref<128x32xf32, #tpu.memory_space<vmem>>
      %dma_wait3A_214 = arith.constant 0 : i32
      %dma_wait3A_215 = tpu.memref_slice %arg6[%dma_wait3A_208, %dma_wait3A_214] : memref<8x128xi32, #tpu.memory_space<vmem>> -> memref<1x128xi32, #tpu.memory_space<vmem>>
      %dma_wait3A_216 = tpu.memref_squeeze %dma_wait3A_215 : memref<1x128xi32, #tpu.memory_space<vmem>> -> memref<128xi32, #tpu.memory_space<vmem>>
      %dma_wait3A_217 = arith.constant 0 : i32
      %dma_wait3A_218 = arith.constant 0 : i32
      %dma_wait3A_219 = tpu.memref_slice %arg5[%dma_wait3A_217, %dma_wait3A_218] : memref<128x32xf32, #tpu.memory_space<vmem_shared>> -> memref<128x32xf32, #tpu.memory_space<vmem_shared>>
      tpu.wait_indirect_dma semaphore(%arg12 : memref<!tpu.dma_semaphore, #tpu.memory_space<semaphore_mem>>) src(%dma_wait3A_219 : memref<128x32xf32, #tpu.memory_space<vmem_shared>>) dst(%dma_wait3A_213 : memref<128x32xf32, #tpu.memory_space<vmem>>)
      %dma_wait3A_220 = arith.constant 2 : i32
      %dma_wait3A_221 = arith.constant 2 : i32
      %dma_wait3A_222 = arith.constant 0 : i32
      %dma_wait3A_223 = arith.constant 0 : i32
      %dma_wait3A_224 = tpu.memref_slice %arg8[%dma_wait3A_221, %dma_wait3A_222, %dma_wait3A_223] : memref<8x128x32xf32, #tpu.memory_space<vmem>> -> memref<1x128x32xf32, #tpu.memory_space<vmem>>
      %dma_wait3A_225 = tpu.memref_squeeze %dma_wait3A_224 : memref<1x128x32xf32, #tpu.memory_space<vmem>> -> memref<128x32xf32, #tpu.memory_space<vmem>>
      %dma_wait3A_226 = arith.constant 0 : i32
      %dma_wait3A_227 = tpu.memref_slice %arg6[%dma_wait3A_220, %dma_wait3A_226] : memref<8x128xi32, #tpu.memory_space<vmem>> -> memref<1x128xi32, #tpu.memory_space<vmem>>
      %dma_wait3A_228 = tpu.memref_squeeze %dma_wait3A_227 : memref<1x128xi32, #tpu.memory_space<vmem>> -> memref<128xi32, #tpu.memory_space<vmem>>
      %dma_wait3A_229 = arith.constant 0 : i32
      %dma_wait3A_230 = arith.constant 0 : i32
      %dma_wait3A_231 = tpu.memref_slice %arg5[%dma_wait3A_229, %dma_wait3A_230] : memref<128x32xf32, #tpu.memory_space<vmem_shared>> -> memref<128x32xf32, #tpu.memory_space<vmem_shared>>
      tpu.wait_indirect_dma semaphore(%arg12 : memref<!tpu.dma_semaphore, #tpu.memory_space<semaphore_mem>>) src(%dma_wait3A_231 : memref<128x32xf32, #tpu.memory_space<vmem_shared>>) dst(%dma_wait3A_225 : memref<128x32xf32, #tpu.memory_space<vmem>>)
      %dma_wait3A_232 = arith.constant 3 : i32
      %dma_wait3A_233 = arith.constant 3 : i32
      %dma_wait3A_234 = arith.constant 0 : i32
      %dma_wait3A_235 = arith.constant 0 : i32
      %dma_wait3A_236 = tpu.memref_slice %arg8[%dma_wait3A_233, %dma_wait3A_234, %dma_wait3A_235] : memref<8x128x32xf32, #tpu.memory_space<vmem>> -> memref<1x128x32xf32, #tpu.memory_space<vmem>>
      %dma_wait3A_237 = tpu.memref_squeeze %dma_wait3A_236 : memref<1x128x32xf32, #tpu.memory_space<vmem>> -> memref<128x32xf32, #tpu.memory_space<vmem>>
      %dma_wait3A_238 = arith.constant 0 : i32
      %dma_wait3A_239 = tpu.memref_slice %arg6[%dma_wait3A_232, %dma_wait3A_238] : memref<8x128xi32, #tpu.memory_space<vmem>> -> memref<1x128xi32, #tpu.memory_space<vmem>>
      %dma_wait3A_240 = tpu.memref_squeeze %dma_wait3A_239 : memref<1x128xi32, #tpu.memory_space<vmem>> -> memref<128xi32, #tpu.memory_space<vmem>>
      %dma_wait3A_241 = arith.constant 0 : i32
      %dma_wait3A_242 = arith.constant 0 : i32
      %dma_wait3A_243 = tpu.memref_slice %arg5[%dma_wait3A_241, %dma_wait3A_242] : memref<128x32xf32, #tpu.memory_space<vmem_shared>> -> memref<128x32xf32, #tpu.memory_space<vmem_shared>>
      tpu.wait_indirect_dma semaphore(%arg12 : memref<!tpu.dma_semaphore, #tpu.memory_space<semaphore_mem>>) src(%dma_wait3A_243 : memref<128x32xf32, #tpu.memory_space<vmem_shared>>) dst(%dma_wait3A_237 : memref<128x32xf32, #tpu.memory_space<vmem>>)
      %dma_wait3A_244 = arith.constant 4 : i32
      %dma_wait3A_245 = arith.constant 4 : i32
      %dma_wait3A_246 = arith.constant 0 : i32
      %dma_wait3A_247 = arith.constant 0 : i32
      %dma_wait3A_248 = tpu.memref_slice %arg8[%dma_wait3A_245, %dma_wait3A_246, %dma_wait3A_247] : memref<8x128x32xf32, #tpu.memory_space<vmem>> -> memref<1x128x32xf32, #tpu.memory_space<vmem>>
      %dma_wait3A_249 = tpu.memref_squeeze %dma_wait3A_248 : memref<1x128x32xf32, #tpu.memory_space<vmem>> -> memref<128x32xf32, #tpu.memory_space<vmem>>
      %dma_wait3A_250 = arith.constant 0 : i32
      %dma_wait3A_251 = tpu.memref_slice %arg6[%dma_wait3A_244, %dma_wait3A_250] : memref<8x128xi32, #tpu.memory_space<vmem>> -> memref<1x128xi32, #tpu.memory_space<vmem>>
      %dma_wait3A_252 = tpu.memref_squeeze %dma_wait3A_251 : memref<1x128xi32, #tpu.memory_space<vmem>> -> memref<128xi32, #tpu.memory_space<vmem>>
      %dma_wait3A_253 = arith.constant 0 : i32
      %dma_wait3A_254 = arith.constant 0 : i32
      %dma_wait3A_255 = tpu.memref_slice %arg5[%dma_wait3A_253, %dma_wait3A_254] : memref<128x32xf32, #tpu.memory_space<vmem_shared>> -> memref<128x32xf32, #tpu.memory_space<vmem_shared>>
      tpu.wait_indirect_dma semaphore(%arg12 : memref<!tpu.dma_semaphore, #tpu.memory_space<semaphore_mem>>) src(%dma_wait3A_255 : memref<128x32xf32, #tpu.memory_space<vmem_shared>>) dst(%dma_wait3A_249 : memref<128x32xf32, #tpu.memory_space<vmem>>)
      %dma_wait3A_256 = arith.constant 5 : i32
      %dma_wait3A_257 = arith.constant 5 : i32
      %dma_wait3A_258 = arith.constant 0 : i32
      %dma_wait3A_259 = arith.constant 0 : i32
      %dma_wait3A_260 = tpu.memref_slice %arg8[%dma_wait3A_257, %dma_wait3A_258, %dma_wait3A_259] : memref<8x128x32xf32, #tpu.memory_space<vmem>> -> memref<1x128x32xf32, #tpu.memory_space<vmem>>
      %dma_wait3A_261 = tpu.memref_squeeze %dma_wait3A_260 : memref<1x128x32xf32, #tpu.memory_space<vmem>> -> memref<128x32xf32, #tpu.memory_space<vmem>>
      %dma_wait3A_262 = arith.constant 0 : i32
      %dma_wait3A_263 = tpu.memref_slice %arg6[%dma_wait3A_256, %dma_wait3A_262] : memref<8x128xi32, #tpu.memory_space<vmem>> -> memref<1x128xi32, #tpu.memory_space<vmem>>
      %dma_wait3A_264 = tpu.memref_squeeze %dma_wait3A_263 : memref<1x128xi32, #tpu.memory_space<vmem>> -> memref<128xi32, #tpu.memory_space<vmem>>
      %dma_wait3A_265 = arith.constant 0 : i32
      %dma_wait3A_266 = arith.constant 0 : i32
      %dma_wait3A_267 = tpu.memref_slice %arg5[%dma_wait3A_265, %dma_wait3A_266] : memref<128x32xf32, #tpu.memory_space<vmem_shared>> -> memref<128x32xf32, #tpu.memory_space<vmem_shared>>
      tpu.wait_indirect_dma semaphore(%arg12 : memref<!tpu.dma_semaphore, #tpu.memory_space<semaphore_mem>>) src(%dma_wait3A_267 : memref<128x32xf32, #tpu.memory_space<vmem_shared>>) dst(%dma_wait3A_261 : memref<128x32xf32, #tpu.memory_space<vmem>>)
      %dma_wait3A_268 = arith.constant 6 : i32
      %dma_wait3A_269 = arith.constant 6 : i32
      %dma_wait3A_270 = arith.constant 0 : i32
      %dma_wait3A_271 = arith.constant 0 : i32
      %dma_wait3A_272 = tpu.memref_slice %arg8[%dma_wait3A_269, %dma_wait3A_270, %dma_wait3A_271] : memref<8x128x32xf32, #tpu.memory_space<vmem>> -> memref<1x128x32xf32, #tpu.memory_space<vmem>>
      %dma_wait3A_273 = tpu.memref_squeeze %dma_wait3A_272 : memref<1x128x32xf32, #tpu.memory_space<vmem>> -> memref<128x32xf32, #tpu.memory_space<vmem>>
      %dma_wait3A_274 = arith.constant 0 : i32
      %dma_wait3A_275 = tpu.memref_slice %arg6[%dma_wait3A_268, %dma_wait3A_274] : memref<8x128xi32, #tpu.memory_space<vmem>> -> memref<1x128xi32, #tpu.memory_space<vmem>>
      %dma_wait3A_276 = tpu.memref_squeeze %dma_wait3A_275 : memref<1x128xi32, #tpu.memory_space<vmem>> -> memref<128xi32, #tpu.memory_space<vmem>>
      %dma_wait3A_277 = arith.constant 0 : i32
      %dma_wait3A_278 = arith.constant 0 : i32
      %dma_wait3A_279 = tpu.memref_slice %arg5[%dma_wait3A_277, %dma_wait3A_278] : memref<128x32xf32, #tpu.memory_space<vmem_shared>> -> memref<128x32xf32, #tpu.memory_space<vmem_shared>>
      tpu.wait_indirect_dma semaphore(%arg12 : memref<!tpu.dma_semaphore, #tpu.memory_space<semaphore_mem>>) src(%dma_wait3A_279 : memref<128x32xf32, #tpu.memory_space<vmem_shared>>) dst(%dma_wait3A_273 : memref<128x32xf32, #tpu.memory_space<vmem>>)
      %dma_wait3A_280 = arith.constant 7 : i32
      %dma_wait3A_281 = arith.constant 7 : i32
      %dma_wait3A_282 = arith.constant 0 : i32
      %dma_wait3A_283 = arith.constant 0 : i32
      %dma_wait3A_284 = tpu.memref_slice %arg8[%dma_wait3A_281, %dma_wait3A_282, %dma_wait3A_283] : memref<8x128x32xf32, #tpu.memory_space<vmem>> -> memref<1x128x32xf32, #tpu.memory_space<vmem>>
      %dma_wait3A_285 = tpu.memref_squeeze %dma_wait3A_284 : memref<1x128x32xf32, #tpu.memory_space<vmem>> -> memref<128x32xf32, #tpu.memory_space<vmem>>
      %dma_wait3A_286 = arith.constant 0 : i32
      %dma_wait3A_287 = tpu.memref_slice %arg6[%dma_wait3A_280, %dma_wait3A_286] : memref<8x128xi32, #tpu.memory_space<vmem>> -> memref<1x128xi32, #tpu.memory_space<vmem>>
      %dma_wait3A_288 = tpu.memref_squeeze %dma_wait3A_287 : memref<1x128xi32, #tpu.memory_space<vmem>> -> memref<128xi32, #tpu.memory_space<vmem>>
      %dma_wait3A_289 = arith.constant 0 : i32
      %dma_wait3A_290 = arith.constant 0 : i32
      %dma_wait3A_291 = tpu.memref_slice %arg5[%dma_wait3A_289, %dma_wait3A_290] : memref<128x32xf32, #tpu.memory_space<vmem_shared>> -> memref<128x32xf32, #tpu.memory_space<vmem_shared>>
      tpu.wait_indirect_dma semaphore(%arg12 : memref<!tpu.dma_semaphore, #tpu.memory_space<semaphore_mem>>) src(%dma_wait3A_291 : memref<128x32xf32, #tpu.memory_space<vmem_shared>>) dst(%dma_wait3A_285 : memref<128x32xf32, #tpu.memory_space<vmem>>)
      %add3A_292 = arith.constant 2 : i32
      %add3A_293 = arith.addi %add3A_88, %add3A_292 : i32
      %min3A = arith.constant 99 : i32
      %min3A_294 = arith.minsi %add3A_293, %min3A : i32
      %mul3A_295 = arith.constant 8 : i32
      %mul3A_296 = arith.muli %min3A_294, %mul3A_295 : i32
      %add3A_297 = arith.addi %mul3A_2, %mul3A_296 : i32
      %dma_start3A_298 = arith.constant 0 : i32
      %dma_start3A_299 = tpu.memref_slice %arg2[%add3A_297, %dma_start3A_298] : memref<25600x128xi32, #tpu.memory_space<hbm>> -> memref<8x128xi32, #tpu.memory_space<hbm>>
      %dma_start3A_300 = arith.constant 0 : i32
      %dma_start3A_301 = tpu.memref_slice %arg2[%add3A_297, %dma_start3A_300] : memref<25600x128xi32, #tpu.memory_space<hbm>> -> memref<8x128xi32, #tpu.memory_space<hbm>>
      tpu.enqueue_dma source(%dma_start3A_301 : memref<8x128xi32, #tpu.memory_space<hbm>>) target(%arg6 : memref<8x128xi32, #tpu.memory_space<vmem>>) target_semaphore(%arg10 : memref<!tpu.dma_semaphore, #tpu.memory_space<semaphore_mem>>)
      %add3A_302 = arith.constant 0 : i32
      %add3A_303 = arith.addi %add3A_91, %add3A_302 : i32
      %dma_start3A_304 = arith.constant 0 : i32
      %dma_start3A_305 = arith.constant 0 : i32
      %dma_start3A_306 = arith.constant 0 : i32
      %dma_start3A_307 = tpu.memref_slice %arg8[%dma_start3A_304, %dma_start3A_305, %dma_start3A_306] : memref<8x128x32xf32, #tpu.memory_space<vmem>> -> memref<4x128x32xf32, #tpu.memory_space<vmem>>
      %dma_start3A_308 = arith.constant 0 : i32
      %dma_start3A_309 = arith.constant 0 : i32
      %dma_start3A_310 = tpu.memref_slice %arg4[%add3A_303, %dma_start3A_308, %dma_start3A_309] : memref<25600x128x32xf32, #tpu.memory_space<hbm>> -> memref<4x128x32xf32, #tpu.memory_space<hbm>>
      %dma_start3A_311 = arith.constant 0 : i32
      %dma_start3A_312 = arith.constant 0 : i32
      %dma_start3A_313 = tpu.memref_slice %arg4[%add3A_303, %dma_start3A_311, %dma_start3A_312] : memref<25600x128x32xf32, #tpu.memory_space<hbm>> -> memref<4x128x32xf32, #tpu.memory_space<hbm>>
      %dma_start3A_314 = arith.constant 0 : i32
      %dma_start3A_315 = arith.constant 0 : i32
      %dma_start3A_316 = arith.constant 0 : i32
      %dma_start3A_317 = tpu.memref_slice %arg8[%dma_start3A_314, %dma_start3A_315, %dma_start3A_316] : memref<8x128x32xf32, #tpu.memory_space<vmem>> -> memref<4x128x32xf32, #tpu.memory_space<vmem>>
      tpu.enqueue_dma source(%dma_start3A_317 : memref<4x128x32xf32, #tpu.memory_space<vmem>>) target(%dma_start3A_313 : memref<4x128x32xf32, #tpu.memory_space<hbm>>) target_semaphore(%arg13 : memref<!tpu.dma_semaphore, #tpu.memory_space<semaphore_mem>>)
      %add3A_318 = arith.constant 4 : i32
      %add3A_319 = arith.addi %add3A_91, %add3A_318 : i32
      %dma_start3A_320 = arith.constant 4 : i32
      %dma_start3A_321 = arith.constant 0 : i32
      %dma_start3A_322 = arith.constant 0 : i32
      %dma_start3A_323 = tpu.memref_slice %arg8[%dma_start3A_320, %dma_start3A_321, %dma_start3A_322] : memref<8x128x32xf32, #tpu.memory_space<vmem>> -> memref<4x128x32xf32, #tpu.memory_space<vmem>>
      %dma_start3A_324 = arith.constant 0 : i32
      %dma_start3A_325 = arith.constant 0 : i32
      %dma_start3A_326 = tpu.memref_slice %arg4[%add3A_319, %dma_start3A_324, %dma_start3A_325] : memref<25600x128x32xf32, #tpu.memory_space<hbm>> -> memref<4x128x32xf32, #tpu.memory_space<hbm>>
      %dma_start3A_327 = arith.constant 0 : i32
      %dma_start3A_328 = arith.constant 0 : i32
      %dma_start3A_329 = tpu.memref_slice %arg4[%add3A_319, %dma_start3A_327, %dma_start3A_328] : memref<25600x128x32xf32, #tpu.memory_space<hbm>> -> memref<4x128x32xf32, #tpu.memory_space<hbm>>
      %dma_start3A_330 = arith.constant 4 : i32
      %dma_start3A_331 = arith.constant 0 : i32
      %dma_start3A_332 = arith.constant 0 : i32
      %dma_start3A_333 = tpu.memref_slice %arg8[%dma_start3A_330, %dma_start3A_331, %dma_start3A_332] : memref<8x128x32xf32, #tpu.memory_space<vmem>> -> memref<4x128x32xf32, #tpu.memory_space<vmem>>
      tpu.enqueue_dma source(%dma_start3A_333 : memref<4x128x32xf32, #tpu.memory_space<vmem>>) target(%dma_start3A_329 : memref<4x128x32xf32, #tpu.memory_space<hbm>>) target_semaphore(%arg14 : memref<!tpu.dma_semaphore, #tpu.memory_space<semaphore_mem>>)
      %mul3A_334 = arith.constant 2 : i32
      %mul3A_335 = arith.muli %scan3A_84, %mul3A_334 : i32
      %add3A_336 = arith.constant 1 : i32
      %add3A_337 = arith.addi %mul3A_335, %add3A_336 : i32
      %mul3A_338 = arith.constant 8 : i32
      %mul3A_339 = arith.muli %add3A_337, %mul3A_338 : i32
      %add3A_340 = arith.addi %mul3A_2, %mul3A_339 : i32
      %dma_wait3A_341 = arith.constant 0 : i32
      %dma_wait3A_342 = tpu.memref_slice %arg2[%mul3A_2, %dma_wait3A_341] : memref<25600x128xi32, #tpu.memory_space<hbm>> -> memref<8x128xi32, #tpu.memory_space<hbm>>
      %dma_wait3A_343 = arith.constant 0 : i32
      %dma_wait3A_344 = tpu.memref_slice %arg2[%mul3A_2, %dma_wait3A_343] : memref<25600x128xi32, #tpu.memory_space<hbm>> -> memref<8x128xi32, #tpu.memory_space<hbm>>
      tpu.wait_dma2 semaphore(%arg11 : memref<!tpu.dma_semaphore, #tpu.memory_space<semaphore_mem>>) src(%dma_wait3A_344 : memref<8x128xi32, #tpu.memory_space<hbm>>) dst(%arg7 : memref<8x128xi32, #tpu.memory_space<vmem>>)
      %gt3A_345 = arith.constant 0 : i32
      %gt3A_346 = arith.cmpi sgt, %scan3A_84, %gt3A_345 : i32
      %convert_element_type3A_347 = arith.extui %gt3A_346 : i1 to i32
      %cond3A_348 = arith.constant 0 : i32
      %cond3A_349 = arith.cmpi ne, %convert_element_type3A_347, %cond3A_348 : i32
      scf.if %cond3A_349 {
        %dma_wait3A_585 = arith.constant 0 : i32
        %dma_wait3A_586 = arith.constant 0 : i32
        %dma_wait3A_587 = arith.constant 0 : i32
        %dma_wait3A_588 = tpu.memref_slice %arg9[%dma_wait3A_585, %dma_wait3A_586, %dma_wait3A_587] : memref<8x128x32xf32, #tpu.memory_space<vmem>> -> memref<4x128x32xf32, #tpu.memory_space<vmem>>
        %dma_wait3A_589 = arith.constant 0 : i32
        %dma_wait3A_590 = arith.constant 0 : i32
        %dma_wait3A_591 = tpu.memref_slice %arg4[%mul3A_2, %dma_wait3A_589, %dma_wait3A_590] : memref<25600x128x32xf32, #tpu.memory_space<hbm>> -> memref<4x128x32xf32, #tpu.memory_space<hbm>>
        %dma_wait3A_592 = arith.constant 0 : i32
        %dma_wait3A_593 = arith.constant 0 : i32
        %dma_wait3A_594 = tpu.memref_slice %arg4[%mul3A_2, %dma_wait3A_592, %dma_wait3A_593] : memref<25600x128x32xf32, #tpu.memory_space<hbm>> -> memref<4x128x32xf32, #tpu.memory_space<hbm>>
        %dma_wait3A_595 = arith.constant 0 : i32
        %dma_wait3A_596 = arith.constant 0 : i32
        %dma_wait3A_597 = arith.constant 0 : i32
        %dma_wait3A_598 = tpu.memref_slice %arg9[%dma_wait3A_595, %dma_wait3A_596, %dma_wait3A_597] : memref<8x128x32xf32, #tpu.memory_space<vmem>> -> memref<4x128x32xf32, #tpu.memory_space<vmem>>
        tpu.wait_dma2 semaphore(%arg15 : memref<!tpu.dma_semaphore, #tpu.memory_space<semaphore_mem>>) src(%dma_wait3A_598 : memref<4x128x32xf32, #tpu.memory_space<vmem>>) dst(%dma_wait3A_594 : memref<4x128x32xf32, #tpu.memory_space<hbm>>)
        %dma_wait3A_599 = arith.constant 4 : i32
        %dma_wait3A_600 = arith.constant 0 : i32
        %dma_wait3A_601 = arith.constant 0 : i32
        %dma_wait3A_602 = tpu.memref_slice %arg9[%dma_wait3A_599, %dma_wait3A_600, %dma_wait3A_601] : memref<8x128x32xf32, #tpu.memory_space<vmem>> -> memref<4x128x32xf32, #tpu.memory_space<vmem>>
        %dma_wait3A_603 = arith.constant 0 : i32
        %dma_wait3A_604 = arith.constant 0 : i32
        %dma_wait3A_605 = tpu.memref_slice %arg4[%mul3A_2, %dma_wait3A_603, %dma_wait3A_604] : memref<25600x128x32xf32, #tpu.memory_space<hbm>> -> memref<4x128x32xf32, #tpu.memory_space<hbm>>
        %dma_wait3A_606 = arith.constant 0 : i32
        %dma_wait3A_607 = arith.constant 0 : i32
        %dma_wait3A_608 = tpu.memref_slice %arg4[%mul3A_2, %dma_wait3A_606, %dma_wait3A_607] : memref<25600x128x32xf32, #tpu.memory_space<hbm>> -> memref<4x128x32xf32, #tpu.memory_space<hbm>>
        %dma_wait3A_609 = arith.constant 4 : i32
        %dma_wait3A_610 = arith.constant 0 : i32
        %dma_wait3A_611 = arith.constant 0 : i32
        %dma_wait3A_612 = tpu.memref_slice %arg9[%dma_wait3A_609, %dma_wait3A_610, %dma_wait3A_611] : memref<8x128x32xf32, #tpu.memory_space<vmem>> -> memref<4x128x32xf32, #tpu.memory_space<vmem>>
        tpu.wait_dma2 semaphore(%arg16 : memref<!tpu.dma_semaphore, #tpu.memory_space<semaphore_mem>>) src(%dma_wait3A_612 : memref<4x128x32xf32, #tpu.memory_space<vmem>>) dst(%dma_wait3A_608 : memref<4x128x32xf32, #tpu.memory_space<hbm>>)
      } else {
      }
      %dma_start3A_350 = arith.constant 0 : i32
      %dma_start3A_351 = arith.constant 0 : i32
      %dma_start3A_352 = arith.constant 0 : i32
      %dma_start3A_353 = arith.constant 0 : i32
      %dma_start3A_354 = tpu.memref_slice %arg9[%dma_start3A_351, %dma_start3A_352, %dma_start3A_353] : memref<8x128x32xf32, #tpu.memory_space<vmem>> -> memref<1x128x32xf32, #tpu.memory_space<vmem>>
      %dma_start3A_355 = tpu.memref_squeeze %dma_start3A_354 : memref<1x128x32xf32, #tpu.memory_space<vmem>> -> memref<128x32xf32, #tpu.memory_space<vmem>>
      %dma_start3A_356 = arith.constant 0 : i32
      %dma_start3A_357 = tpu.memref_slice %arg7[%dma_start3A_350, %dma_start3A_356] : memref<8x128xi32, #tpu.memory_space<vmem>> -> memref<1x128xi32, #tpu.memory_space<vmem>>
      %dma_start3A_358 = tpu.memref_squeeze %dma_start3A_357 : memref<1x128xi32, #tpu.memory_space<vmem>> -> memref<128xi32, #tpu.memory_space<vmem>>
      %dma_start3A_359 = arith.constant 0 : i32
      %dma_start3A_360 = arith.constant 0 : i32
      %dma_start3A_361 = tpu.memref_slice %arg5[%dma_start3A_359, %dma_start3A_360] : memref<128x32xf32, #tpu.memory_space<vmem_shared>> -> memref<128x32xf32, #tpu.memory_space<vmem_shared>>
      tpu.enqueue_indirect_dma source(%dma_start3A_361 : memref<128x32xf32, #tpu.memory_space<vmem_shared>>) target(%dma_start3A_355 : memref<128x32xf32, #tpu.memory_space<vmem>>) offsets(%dma_start3A_358 : memref<128xi32, #tpu.memory_space<vmem>>) semaphore(%arg12 : memref<!tpu.dma_semaphore, #tpu.memory_space<semaphore_mem>>)
      %dma_start3A_362 = arith.constant 1 : i32
      %dma_start3A_363 = arith.constant 1 : i32
      %dma_start3A_364 = arith.constant 0 : i32
      %dma_start3A_365 = arith.constant 0 : i32
      %dma_start3A_366 = tpu.memref_slice %arg9[%dma_start3A_363, %dma_start3A_364, %dma_start3A_365] : memref<8x128x32xf32, #tpu.memory_space<vmem>> -> memref<1x128x32xf32, #tpu.memory_space<vmem>>
      %dma_start3A_367 = tpu.memref_squeeze %dma_start3A_366 : memref<1x128x32xf32, #tpu.memory_space<vmem>> -> memref<128x32xf32, #tpu.memory_space<vmem>>
      %dma_start3A_368 = arith.constant 0 : i32
      %dma_start3A_369 = tpu.memref_slice %arg7[%dma_start3A_362, %dma_start3A_368] : memref<8x128xi32, #tpu.memory_space<vmem>> -> memref<1x128xi32, #tpu.memory_space<vmem>>
      %dma_start3A_370 = tpu.memref_squeeze %dma_start3A_369 : memref<1x128xi32, #tpu.memory_space<vmem>> -> memref<128xi32, #tpu.memory_space<vmem>>
      %dma_start3A_371 = arith.constant 0 : i32
      %dma_start3A_372 = arith.constant 0 : i32
      %dma_start3A_373 = tpu.memref_slice %arg5[%dma_start3A_371, %dma_start3A_372] : memref<128x32xf32, #tpu.memory_space<vmem_shared>> -> memref<128x32xf32, #tpu.memory_space<vmem_shared>>
      tpu.enqueue_indirect_dma source(%dma_start3A_373 : memref<128x32xf32, #tpu.memory_space<vmem_shared>>) target(%dma_start3A_367 : memref<128x32xf32, #tpu.memory_space<vmem>>) offsets(%dma_start3A_370 : memref<128xi32, #tpu.memory_space<vmem>>) semaphore(%arg12 : memref<!tpu.dma_semaphore, #tpu.memory_space<semaphore_mem>>)
      %dma_start3A_374 = arith.constant 2 : i32
      %dma_start3A_375 = arith.constant 2 : i32
      %dma_start3A_376 = arith.constant 0 : i32
      %dma_start3A_377 = arith.constant 0 : i32
      %dma_start3A_378 = tpu.memref_slice %arg9[%dma_start3A_375, %dma_start3A_376, %dma_start3A_377] : memref<8x128x32xf32, #tpu.memory_space<vmem>> -> memref<1x128x32xf32, #tpu.memory_space<vmem>>
      %dma_start3A_379 = tpu.memref_squeeze %dma_start3A_378 : memref<1x128x32xf32, #tpu.memory_space<vmem>> -> memref<128x32xf32, #tpu.memory_space<vmem>>
      %dma_start3A_380 = arith.constant 0 : i32
      %dma_start3A_381 = tpu.memref_slice %arg7[%dma_start3A_374, %dma_start3A_380] : memref<8x128xi32, #tpu.memory_space<vmem>> -> memref<1x128xi32, #tpu.memory_space<vmem>>
      %dma_start3A_382 = tpu.memref_squeeze %dma_start3A_381 : memref<1x128xi32, #tpu.memory_space<vmem>> -> memref<128xi32, #tpu.memory_space<vmem>>
      %dma_start3A_383 = arith.constant 0 : i32
      %dma_start3A_384 = arith.constant 0 : i32
      %dma_start3A_385 = tpu.memref_slice %arg5[%dma_start3A_383, %dma_start3A_384] : memref<128x32xf32, #tpu.memory_space<vmem_shared>> -> memref<128x32xf32, #tpu.memory_space<vmem_shared>>
      tpu.enqueue_indirect_dma source(%dma_start3A_385 : memref<128x32xf32, #tpu.memory_space<vmem_shared>>) target(%dma_start3A_379 : memref<128x32xf32, #tpu.memory_space<vmem>>) offsets(%dma_start3A_382 : memref<128xi32, #tpu.memory_space<vmem>>) semaphore(%arg12 : memref<!tpu.dma_semaphore, #tpu.memory_space<semaphore_mem>>)
      %dma_start3A_386 = arith.constant 3 : i32
      %dma_start3A_387 = arith.constant 3 : i32
      %dma_start3A_388 = arith.constant 0 : i32
      %dma_start3A_389 = arith.constant 0 : i32
      %dma_start3A_390 = tpu.memref_slice %arg9[%dma_start3A_387, %dma_start3A_388, %dma_start3A_389] : memref<8x128x32xf32, #tpu.memory_space<vmem>> -> memref<1x128x32xf32, #tpu.memory_space<vmem>>
      %dma_start3A_391 = tpu.memref_squeeze %dma_start3A_390 : memref<1x128x32xf32, #tpu.memory_space<vmem>> -> memref<128x32xf32, #tpu.memory_space<vmem>>
      %dma_start3A_392 = arith.constant 0 : i32
      %dma_start3A_393 = tpu.memref_slice %arg7[%dma_start3A_386, %dma_start3A_392] : memref<8x128xi32, #tpu.memory_space<vmem>> -> memref<1x128xi32, #tpu.memory_space<vmem>>
      %dma_start3A_394 = tpu.memref_squeeze %dma_start3A_393 : memref<1x128xi32, #tpu.memory_space<vmem>> -> memref<128xi32, #tpu.memory_space<vmem>>
      %dma_start3A_395 = arith.constant 0 : i32
      %dma_start3A_396 = arith.constant 0 : i32
      %dma_start3A_397 = tpu.memref_slice %arg5[%dma_start3A_395, %dma_start3A_396] : memref<128x32xf32, #tpu.memory_space<vmem_shared>> -> memref<128x32xf32, #tpu.memory_space<vmem_shared>>
      tpu.enqueue_indirect_dma source(%dma_start3A_397 : memref<128x32xf32, #tpu.memory_space<vmem_shared>>) target(%dma_start3A_391 : memref<128x32xf32, #tpu.memory_space<vmem>>) offsets(%dma_start3A_394 : memref<128xi32, #tpu.memory_space<vmem>>) semaphore(%arg12 : memref<!tpu.dma_semaphore, #tpu.memory_space<semaphore_mem>>)
      %dma_start3A_398 = arith.constant 4 : i32
      %dma_start3A_399 = arith.constant 4 : i32
      %dma_start3A_400 = arith.constant 0 : i32
      %dma_start3A_401 = arith.constant 0 : i32
      %dma_start3A_402 = tpu.memref_slice %arg9[%dma_start3A_399, %dma_start3A_400, %dma_start3A_401] : memref<8x128x32xf32, #tpu.memory_space<vmem>> -> memref<1x128x32xf32, #tpu.memory_space<vmem>>
      %dma_start3A_403 = tpu.memref_squeeze %dma_start3A_402 : memref<1x128x32xf32, #tpu.memory_space<vmem>> -> memref<128x32xf32, #tpu.memory_space<vmem>>
      %dma_start3A_404 = arith.constant 0 : i32
      %dma_start3A_405 = tpu.memref_slice %arg7[%dma_start3A_398, %dma_start3A_404] : memref<8x128xi32, #tpu.memory_space<vmem>> -> memref<1x128xi32, #tpu.memory_space<vmem>>
      %dma_start3A_406 = tpu.memref_squeeze %dma_start3A_405 : memref<1x128xi32, #tpu.memory_space<vmem>> -> memref<128xi32, #tpu.memory_space<vmem>>
      %dma_start3A_407 = arith.constant 0 : i32
      %dma_start3A_408 = arith.constant 0 : i32
      %dma_start3A_409 = tpu.memref_slice %arg5[%dma_start3A_407, %dma_start3A_408] : memref<128x32xf32, #tpu.memory_space<vmem_shared>> -> memref<128x32xf32, #tpu.memory_space<vmem_shared>>
      tpu.enqueue_indirect_dma source(%dma_start3A_409 : memref<128x32xf32, #tpu.memory_space<vmem_shared>>) target(%dma_start3A_403 : memref<128x32xf32, #tpu.memory_space<vmem>>) offsets(%dma_start3A_406 : memref<128xi32, #tpu.memory_space<vmem>>) semaphore(%arg12 : memref<!tpu.dma_semaphore, #tpu.memory_space<semaphore_mem>>)
      %dma_start3A_410 = arith.constant 5 : i32
      %dma_start3A_411 = arith.constant 5 : i32
      %dma_start3A_412 = arith.constant 0 : i32
      %dma_start3A_413 = arith.constant 0 : i32
      %dma_start3A_414 = tpu.memref_slice %arg9[%dma_start3A_411, %dma_start3A_412, %dma_start3A_413] : memref<8x128x32xf32, #tpu.memory_space<vmem>> -> memref<1x128x32xf32, #tpu.memory_space<vmem>>
      %dma_start3A_415 = tpu.memref_squeeze %dma_start3A_414 : memref<1x128x32xf32, #tpu.memory_space<vmem>> -> memref<128x32xf32, #tpu.memory_space<vmem>>
      %dma_start3A_416 = arith.constant 0 : i32
      %dma_start3A_417 = tpu.memref_slice %arg7[%dma_start3A_410, %dma_start3A_416] : memref<8x128xi32, #tpu.memory_space<vmem>> -> memref<1x128xi32, #tpu.memory_space<vmem>>
      %dma_start3A_418 = tpu.memref_squeeze %dma_start3A_417 : memref<1x128xi32, #tpu.memory_space<vmem>> -> memref<128xi32, #tpu.memory_space<vmem>>
      %dma_start3A_419 = arith.constant 0 : i32
      %dma_start3A_420 = arith.constant 0 : i32
      %dma_start3A_421 = tpu.memref_slice %arg5[%dma_start3A_419, %dma_start3A_420] : memref<128x32xf32, #tpu.memory_space<vmem_shared>> -> memref<128x32xf32, #tpu.memory_space<vmem_shared>>
      tpu.enqueue_indirect_dma source(%dma_start3A_421 : memref<128x32xf32, #tpu.memory_space<vmem_shared>>) target(%dma_start3A_415 : memref<128x32xf32, #tpu.memory_space<vmem>>) offsets(%dma_start3A_418 : memref<128xi32, #tpu.memory_space<vmem>>) semaphore(%arg12 : memref<!tpu.dma_semaphore, #tpu.memory_space<semaphore_mem>>)
      %dma_start3A_422 = arith.constant 6 : i32
      %dma_start3A_423 = arith.constant 6 : i32
      %dma_start3A_424 = arith.constant 0 : i32
      %dma_start3A_425 = arith.constant 0 : i32
      %dma_start3A_426 = tpu.memref_slice %arg9[%dma_start3A_423, %dma_start3A_424, %dma_start3A_425] : memref<8x128x32xf32, #tpu.memory_space<vmem>> -> memref<1x128x32xf32, #tpu.memory_space<vmem>>
      %dma_start3A_427 = tpu.memref_squeeze %dma_start3A_426 : memref<1x128x32xf32, #tpu.memory_space<vmem>> -> memref<128x32xf32, #tpu.memory_space<vmem>>
      %dma_start3A_428 = arith.constant 0 : i32
      %dma_start3A_429 = tpu.memref_slice %arg7[%dma_start3A_422, %dma_start3A_428] : memref<8x128xi32, #tpu.memory_space<vmem>> -> memref<1x128xi32, #tpu.memory_space<vmem>>
      %dma_start3A_430 = tpu.memref_squeeze %dma_start3A_429 : memref<1x128xi32, #tpu.memory_space<vmem>> -> memref<128xi32, #tpu.memory_space<vmem>>
      %dma_start3A_431 = arith.constant 0 : i32
      %dma_start3A_432 = arith.constant 0 : i32
      %dma_start3A_433 = tpu.memref_slice %arg5[%dma_start3A_431, %dma_start3A_432] : memref<128x32xf32, #tpu.memory_space<vmem_shared>> -> memref<128x32xf32, #tpu.memory_space<vmem_shared>>
      tpu.enqueue_indirect_dma source(%dma_start3A_433 : memref<128x32xf32, #tpu.memory_space<vmem_shared>>) target(%dma_start3A_427 : memref<128x32xf32, #tpu.memory_space<vmem>>) offsets(%dma_start3A_430 : memref<128xi32, #tpu.memory_space<vmem>>) semaphore(%arg12 : memref<!tpu.dma_semaphore, #tpu.memory_space<semaphore_mem>>)
      %dma_start3A_434 = arith.constant 7 : i32
      %dma_start3A_435 = arith.constant 7 : i32
      %dma_start3A_436 = arith.constant 0 : i32
      %dma_start3A_437 = arith.constant 0 : i32
      %dma_start3A_438 = tpu.memref_slice %arg9[%dma_start3A_435, %dma_start3A_436, %dma_start3A_437] : memref<8x128x32xf32, #tpu.memory_space<vmem>> -> memref<1x128x32xf32, #tpu.memory_space<vmem>>
      %dma_start3A_439 = tpu.memref_squeeze %dma_start3A_438 : memref<1x128x32xf32, #tpu.memory_space<vmem>> -> memref<128x32xf32, #tpu.memory_space<vmem>>
      %dma_start3A_440 = arith.constant 0 : i32
      %dma_start3A_441 = tpu.memref_slice %arg7[%dma_start3A_434, %dma_start3A_440] : memref<8x128xi32, #tpu.memory_space<vmem>> -> memref<1x128xi32, #tpu.memory_space<vmem>>
      %dma_start3A_442 = tpu.memref_squeeze %dma_start3A_441 : memref<1x128xi32, #tpu.memory_space<vmem>> -> memref<128xi32, #tpu.memory_space<vmem>>
      %dma_start3A_443 = arith.constant 0 : i32
      %dma_start3A_444 = arith.constant 0 : i32
      %dma_start3A_445 = tpu.memref_slice %arg5[%dma_start3A_443, %dma_start3A_444] : memref<128x32xf32, #tpu.memory_space<vmem_shared>> -> memref<128x32xf32, #tpu.memory_space<vmem_shared>>
      tpu.enqueue_indirect_dma source(%dma_start3A_445 : memref<128x32xf32, #tpu.memory_space<vmem_shared>>) target(%dma_start3A_439 : memref<128x32xf32, #tpu.memory_space<vmem>>) offsets(%dma_start3A_442 : memref<128xi32, #tpu.memory_space<vmem>>) semaphore(%arg12 : memref<!tpu.dma_semaphore, #tpu.memory_space<semaphore_mem>>)
      %dma_wait3A_446 = arith.constant 0 : i32
      %dma_wait3A_447 = arith.constant 0 : i32
      %dma_wait3A_448 = arith.constant 0 : i32
      %dma_wait3A_449 = arith.constant 0 : i32
      %dma_wait3A_450 = tpu.memref_slice %arg9[%dma_wait3A_447, %dma_wait3A_448, %dma_wait3A_449] : memref<8x128x32xf32, #tpu.memory_space<vmem>> -> memref<1x128x32xf32, #tpu.memory_space<vmem>>
      %dma_wait3A_451 = tpu.memref_squeeze %dma_wait3A_450 : memref<1x128x32xf32, #tpu.memory_space<vmem>> -> memref<128x32xf32, #tpu.memory_space<vmem>>
      %dma_wait3A_452 = arith.constant 0 : i32
      %dma_wait3A_453 = tpu.memref_slice %arg7[%dma_wait3A_446, %dma_wait3A_452] : memref<8x128xi32, #tpu.memory_space<vmem>> -> memref<1x128xi32, #tpu.memory_space<vmem>>
      %dma_wait3A_454 = tpu.memref_squeeze %dma_wait3A_453 : memref<1x128xi32, #tpu.memory_space<vmem>> -> memref<128xi32, #tpu.memory_space<vmem>>
      %dma_wait3A_455 = arith.constant 0 : i32
      %dma_wait3A_456 = arith.constant 0 : i32
      %dma_wait3A_457 = tpu.memref_slice %arg5[%dma_wait3A_455, %dma_wait3A_456] : memref<128x32xf32, #tpu.memory_space<vmem_shared>> -> memref<128x32xf32, #tpu.memory_space<vmem_shared>>
      tpu.wait_indirect_dma semaphore(%arg12 : memref<!tpu.dma_semaphore, #tpu.memory_space<semaphore_mem>>) src(%dma_wait3A_457 : memref<128x32xf32, #tpu.memory_space<vmem_shared>>) dst(%dma_wait3A_451 : memref<128x32xf32, #tpu.memory_space<vmem>>)
      %dma_wait3A_458 = arith.constant 1 : i32
      %dma_wait3A_459 = arith.constant 1 : i32
      %dma_wait3A_460 = arith.constant 0 : i32
      %dma_wait3A_461 = arith.constant 0 : i32
      %dma_wait3A_462 = tpu.memref_slice %arg9[%dma_wait3A_459, %dma_wait3A_460, %dma_wait3A_461] : memref<8x128x32xf32, #tpu.memory_space<vmem>> -> memref<1x128x32xf32, #tpu.memory_space<vmem>>
      %dma_wait3A_463 = tpu.memref_squeeze %dma_wait3A_462 : memref<1x128x32xf32, #tpu.memory_space<vmem>> -> memref<128x32xf32, #tpu.memory_space<vmem>>
      %dma_wait3A_464 = arith.constant 0 : i32
      %dma_wait3A_465 = tpu.memref_slice %arg7[%dma_wait3A_458, %dma_wait3A_464] : memref<8x128xi32, #tpu.memory_space<vmem>> -> memref<1x128xi32, #tpu.memory_space<vmem>>
      %dma_wait3A_466 = tpu.memref_squeeze %dma_wait3A_465 : memref<1x128xi32, #tpu.memory_space<vmem>> -> memref<128xi32, #tpu.memory_space<vmem>>
      %dma_wait3A_467 = arith.constant 0 : i32
      %dma_wait3A_468 = arith.constant 0 : i32
      %dma_wait3A_469 = tpu.memref_slice %arg5[%dma_wait3A_467, %dma_wait3A_468] : memref<128x32xf32, #tpu.memory_space<vmem_shared>> -> memref<128x32xf32, #tpu.memory_space<vmem_shared>>
      tpu.wait_indirect_dma semaphore(%arg12 : memref<!tpu.dma_semaphore, #tpu.memory_space<semaphore_mem>>) src(%dma_wait3A_469 : memref<128x32xf32, #tpu.memory_space<vmem_shared>>) dst(%dma_wait3A_463 : memref<128x32xf32, #tpu.memory_space<vmem>>)
      %dma_wait3A_470 = arith.constant 2 : i32
      %dma_wait3A_471 = arith.constant 2 : i32
      %dma_wait3A_472 = arith.constant 0 : i32
      %dma_wait3A_473 = arith.constant 0 : i32
      %dma_wait3A_474 = tpu.memref_slice %arg9[%dma_wait3A_471, %dma_wait3A_472, %dma_wait3A_473] : memref<8x128x32xf32, #tpu.memory_space<vmem>> -> memref<1x128x32xf32, #tpu.memory_space<vmem>>
      %dma_wait3A_475 = tpu.memref_squeeze %dma_wait3A_474 : memref<1x128x32xf32, #tpu.memory_space<vmem>> -> memref<128x32xf32, #tpu.memory_space<vmem>>
      %dma_wait3A_476 = arith.constant 0 : i32
      %dma_wait3A_477 = tpu.memref_slice %arg7[%dma_wait3A_470, %dma_wait3A_476] : memref<8x128xi32, #tpu.memory_space<vmem>> -> memref<1x128xi32, #tpu.memory_space<vmem>>
      %dma_wait3A_478 = tpu.memref_squeeze %dma_wait3A_477 : memref<1x128xi32, #tpu.memory_space<vmem>> -> memref<128xi32, #tpu.memory_space<vmem>>
      %dma_wait3A_479 = arith.constant 0 : i32
      %dma_wait3A_480 = arith.constant 0 : i32
      %dma_wait3A_481 = tpu.memref_slice %arg5[%dma_wait3A_479, %dma_wait3A_480] : memref<128x32xf32, #tpu.memory_space<vmem_shared>> -> memref<128x32xf32, #tpu.memory_space<vmem_shared>>
      tpu.wait_indirect_dma semaphore(%arg12 : memref<!tpu.dma_semaphore, #tpu.memory_space<semaphore_mem>>) src(%dma_wait3A_481 : memref<128x32xf32, #tpu.memory_space<vmem_shared>>) dst(%dma_wait3A_475 : memref<128x32xf32, #tpu.memory_space<vmem>>)
      %dma_wait3A_482 = arith.constant 3 : i32
      %dma_wait3A_483 = arith.constant 3 : i32
      %dma_wait3A_484 = arith.constant 0 : i32
      %dma_wait3A_485 = arith.constant 0 : i32
      %dma_wait3A_486 = tpu.memref_slice %arg9[%dma_wait3A_483, %dma_wait3A_484, %dma_wait3A_485] : memref<8x128x32xf32, #tpu.memory_space<vmem>> -> memref<1x128x32xf32, #tpu.memory_space<vmem>>
      %dma_wait3A_487 = tpu.memref_squeeze %dma_wait3A_486 : memref<1x128x32xf32, #tpu.memory_space<vmem>> -> memref<128x32xf32, #tpu.memory_space<vmem>>
      %dma_wait3A_488 = arith.constant 0 : i32
      %dma_wait3A_489 = tpu.memref_slice %arg7[%dma_wait3A_482, %dma_wait3A_488] : memref<8x128xi32, #tpu.memory_space<vmem>> -> memref<1x128xi32, #tpu.memory_space<vmem>>
      %dma_wait3A_490 = tpu.memref_squeeze %dma_wait3A_489 : memref<1x128xi32, #tpu.memory_space<vmem>> -> memref<128xi32, #tpu.memory_space<vmem>>
      %dma_wait3A_491 = arith.constant 0 : i32
      %dma_wait3A_492 = arith.constant 0 : i32
      %dma_wait3A_493 = tpu.memref_slice %arg5[%dma_wait3A_491, %dma_wait3A_492] : memref<128x32xf32, #tpu.memory_space<vmem_shared>> -> memref<128x32xf32, #tpu.memory_space<vmem_shared>>
      tpu.wait_indirect_dma semaphore(%arg12 : memref<!tpu.dma_semaphore, #tpu.memory_space<semaphore_mem>>) src(%dma_wait3A_493 : memref<128x32xf32, #tpu.memory_space<vmem_shared>>) dst(%dma_wait3A_487 : memref<128x32xf32, #tpu.memory_space<vmem>>)
      %dma_wait3A_494 = arith.constant 4 : i32
      %dma_wait3A_495 = arith.constant 4 : i32
      %dma_wait3A_496 = arith.constant 0 : i32
      %dma_wait3A_497 = arith.constant 0 : i32
      %dma_wait3A_498 = tpu.memref_slice %arg9[%dma_wait3A_495, %dma_wait3A_496, %dma_wait3A_497] : memref<8x128x32xf32, #tpu.memory_space<vmem>> -> memref<1x128x32xf32, #tpu.memory_space<vmem>>
      %dma_wait3A_499 = tpu.memref_squeeze %dma_wait3A_498 : memref<1x128x32xf32, #tpu.memory_space<vmem>> -> memref<128x32xf32, #tpu.memory_space<vmem>>
      %dma_wait3A_500 = arith.constant 0 : i32
      %dma_wait3A_501 = tpu.memref_slice %arg7[%dma_wait3A_494, %dma_wait3A_500] : memref<8x128xi32, #tpu.memory_space<vmem>> -> memref<1x128xi32, #tpu.memory_space<vmem>>
      %dma_wait3A_502 = tpu.memref_squeeze %dma_wait3A_501 : memref<1x128xi32, #tpu.memory_space<vmem>> -> memref<128xi32, #tpu.memory_space<vmem>>
      %dma_wait3A_503 = arith.constant 0 : i32
      %dma_wait3A_504 = arith.constant 0 : i32
      %dma_wait3A_505 = tpu.memref_slice %arg5[%dma_wait3A_503, %dma_wait3A_504] : memref<128x32xf32, #tpu.memory_space<vmem_shared>> -> memref<128x32xf32, #tpu.memory_space<vmem_shared>>
      tpu.wait_indirect_dma semaphore(%arg12 : memref<!tpu.dma_semaphore, #tpu.memory_space<semaphore_mem>>) src(%dma_wait3A_505 : memref<128x32xf32, #tpu.memory_space<vmem_shared>>) dst(%dma_wait3A_499 : memref<128x32xf32, #tpu.memory_space<vmem>>)
      %dma_wait3A_506 = arith.constant 5 : i32
      %dma_wait3A_507 = arith.constant 5 : i32
      %dma_wait3A_508 = arith.constant 0 : i32
      %dma_wait3A_509 = arith.constant 0 : i32
      %dma_wait3A_510 = tpu.memref_slice %arg9[%dma_wait3A_507, %dma_wait3A_508, %dma_wait3A_509] : memref<8x128x32xf32, #tpu.memory_space<vmem>> -> memref<1x128x32xf32, #tpu.memory_space<vmem>>
      %dma_wait3A_511 = tpu.memref_squeeze %dma_wait3A_510 : memref<1x128x32xf32, #tpu.memory_space<vmem>> -> memref<128x32xf32, #tpu.memory_space<vmem>>
      %dma_wait3A_512 = arith.constant 0 : i32
      %dma_wait3A_513 = tpu.memref_slice %arg7[%dma_wait3A_506, %dma_wait3A_512] : memref<8x128xi32, #tpu.memory_space<vmem>> -> memref<1x128xi32, #tpu.memory_space<vmem>>
      %dma_wait3A_514 = tpu.memref_squeeze %dma_wait3A_513 : memref<1x128xi32, #tpu.memory_space<vmem>> -> memref<128xi32, #tpu.memory_space<vmem>>
      %dma_wait3A_515 = arith.constant 0 : i32
      %dma_wait3A_516 = arith.constant 0 : i32
      %dma_wait3A_517 = tpu.memref_slice %arg5[%dma_wait3A_515, %dma_wait3A_516] : memref<128x32xf32, #tpu.memory_space<vmem_shared>> -> memref<128x32xf32, #tpu.memory_space<vmem_shared>>
      tpu.wait_indirect_dma semaphore(%arg12 : memref<!tpu.dma_semaphore, #tpu.memory_space<semaphore_mem>>) src(%dma_wait3A_517 : memref<128x32xf32, #tpu.memory_space<vmem_shared>>) dst(%dma_wait3A_511 : memref<128x32xf32, #tpu.memory_space<vmem>>)
      %dma_wait3A_518 = arith.constant 6 : i32
      %dma_wait3A_519 = arith.constant 6 : i32
      %dma_wait3A_520 = arith.constant 0 : i32
      %dma_wait3A_521 = arith.constant 0 : i32
      %dma_wait3A_522 = tpu.memref_slice %arg9[%dma_wait3A_519, %dma_wait3A_520, %dma_wait3A_521] : memref<8x128x32xf32, #tpu.memory_space<vmem>> -> memref<1x128x32xf32, #tpu.memory_space<vmem>>
      %dma_wait3A_523 = tpu.memref_squeeze %dma_wait3A_522 : memref<1x128x32xf32, #tpu.memory_space<vmem>> -> memref<128x32xf32, #tpu.memory_space<vmem>>
      %dma_wait3A_524 = arith.constant 0 : i32
      %dma_wait3A_525 = tpu.memref_slice %arg7[%dma_wait3A_518, %dma_wait3A_524] : memref<8x128xi32, #tpu.memory_space<vmem>> -> memref<1x128xi32, #tpu.memory_space<vmem>>
      %dma_wait3A_526 = tpu.memref_squeeze %dma_wait3A_525 : memref<1x128xi32, #tpu.memory_space<vmem>> -> memref<128xi32, #tpu.memory_space<vmem>>
      %dma_wait3A_527 = arith.constant 0 : i32
      %dma_wait3A_528 = arith.constant 0 : i32
      %dma_wait3A_529 = tpu.memref_slice %arg5[%dma_wait3A_527, %dma_wait3A_528] : memref<128x32xf32, #tpu.memory_space<vmem_shared>> -> memref<128x32xf32, #tpu.memory_space<vmem_shared>>
      tpu.wait_indirect_dma semaphore(%arg12 : memref<!tpu.dma_semaphore, #tpu.memory_space<semaphore_mem>>) src(%dma_wait3A_529 : memref<128x32xf32, #tpu.memory_space<vmem_shared>>) dst(%dma_wait3A_523 : memref<128x32xf32, #tpu.memory_space<vmem>>)
      %dma_wait3A_530 = arith.constant 7 : i32
      %dma_wait3A_531 = arith.constant 7 : i32
      %dma_wait3A_532 = arith.constant 0 : i32
      %dma_wait3A_533 = arith.constant 0 : i32
      %dma_wait3A_534 = tpu.memref_slice %arg9[%dma_wait3A_531, %dma_wait3A_532, %dma_wait3A_533] : memref<8x128x32xf32, #tpu.memory_space<vmem>> -> memref<1x128x32xf32, #tpu.memory_space<vmem>>
      %dma_wait3A_535 = tpu.memref_squeeze %dma_wait3A_534 : memref<1x128x32xf32, #tpu.memory_space<vmem>> -> memref<128x32xf32, #tpu.memory_space<vmem>>
      %dma_wait3A_536 = arith.constant 0 : i32
      %dma_wait3A_537 = tpu.memref_slice %arg7[%dma_wait3A_530, %dma_wait3A_536] : memref<8x128xi32, #tpu.memory_space<vmem>> -> memref<1x128xi32, #tpu.memory_space<vmem>>
      %dma_wait3A_538 = tpu.memref_squeeze %dma_wait3A_537 : memref<1x128xi32, #tpu.memory_space<vmem>> -> memref<128xi32, #tpu.memory_space<vmem>>
      %dma_wait3A_539 = arith.constant 0 : i32
      %dma_wait3A_540 = arith.constant 0 : i32
      %dma_wait3A_541 = tpu.memref_slice %arg5[%dma_wait3A_539, %dma_wait3A_540] : memref<128x32xf32, #tpu.memory_space<vmem_shared>> -> memref<128x32xf32, #tpu.memory_space<vmem_shared>>
      tpu.wait_indirect_dma semaphore(%arg12 : memref<!tpu.dma_semaphore, #tpu.memory_space<semaphore_mem>>) src(%dma_wait3A_541 : memref<128x32xf32, #tpu.memory_space<vmem_shared>>) dst(%dma_wait3A_535 : memref<128x32xf32, #tpu.memory_space<vmem>>)
      %add3A_542 = arith.constant 2 : i32
      %add3A_543 = arith.addi %add3A_337, %add3A_542 : i32
      %min3A_544 = arith.constant 99 : i32
      %min3A_545 = arith.minsi %add3A_543, %min3A_544 : i32
      %mul3A_546 = arith.constant 8 : i32
      %mul3A_547 = arith.muli %min3A_545, %mul3A_546 : i32
      %add3A_548 = arith.addi %mul3A_2, %mul3A_547 : i32
      %dma_start3A_549 = arith.constant 0 : i32
      %dma_start3A_550 = tpu.memref_slice %arg2[%add3A_548, %dma_start3A_549] : memref<25600x128xi32, #tpu.memory_space<hbm>> -> memref<8x128xi32, #tpu.memory_space<hbm>>
      %dma_start3A_551 = arith.constant 0 : i32
      %dma_start3A_552 = tpu.memref_slice %arg2[%add3A_548, %dma_start3A_551] : memref<25600x128xi32, #tpu.memory_space<hbm>> -> memref<8x128xi32, #tpu.memory_space<hbm>>
      tpu.enqueue_dma source(%dma_start3A_552 : memref<8x128xi32, #tpu.memory_space<hbm>>) target(%arg7 : memref<8x128xi32, #tpu.memory_space<vmem>>) target_semaphore(%arg11 : memref<!tpu.dma_semaphore, #tpu.memory_space<semaphore_mem>>)
      %add3A_553 = arith.constant 0 : i32
      %add3A_554 = arith.addi %add3A_340, %add3A_553 : i32
      %dma_start3A_555 = arith.constant 0 : i32
      %dma_start3A_556 = arith.constant 0 : i32
      %dma_start3A_557 = arith.constant 0 : i32
      %dma_start3A_558 = tpu.memref_slice %arg9[%dma_start3A_555, %dma_start3A_556, %dma_start3A_557] : memref<8x128x32xf32, #tpu.memory_space<vmem>> -> memref<4x128x32xf32, #tpu.memory_space<vmem>>
      %dma_start3A_559 = arith.constant 0 : i32
      %dma_start3A_560 = arith.constant 0 : i32
      %dma_start3A_561 = tpu.memref_slice %arg4[%add3A_554, %dma_start3A_559, %dma_start3A_560] : memref<25600x128x32xf32, #tpu.memory_space<hbm>> -> memref<4x128x32xf32, #tpu.memory_space<hbm>>
      %dma_start3A_562 = arith.constant 0 : i32
      %dma_start3A_563 = arith.constant 0 : i32
      %dma_start3A_564 = tpu.memref_slice %arg4[%add3A_554, %dma_start3A_562, %dma_start3A_563] : memref<25600x128x32xf32, #tpu.memory_space<hbm>> -> memref<4x128x32xf32, #tpu.memory_space<hbm>>
      %dma_start3A_565 = arith.constant 0 : i32
      %dma_start3A_566 = arith.constant 0 : i32
      %dma_start3A_567 = arith.constant 0 : i32
      %dma_start3A_568 = tpu.memref_slice %arg9[%dma_start3A_565, %dma_start3A_566, %dma_start3A_567] : memref<8x128x32xf32, #tpu.memory_space<vmem>> -> memref<4x128x32xf32, #tpu.memory_space<vmem>>
      tpu.enqueue_dma source(%dma_start3A_568 : memref<4x128x32xf32, #tpu.memory_space<vmem>>) target(%dma_start3A_564 : memref<4x128x32xf32, #tpu.memory_space<hbm>>) target_semaphore(%arg15 : memref<!tpu.dma_semaphore, #tpu.memory_space<semaphore_mem>>)
      %add3A_569 = arith.constant 4 : i32
      %add3A_570 = arith.addi %add3A_340, %add3A_569 : i32
      %dma_start3A_571 = arith.constant 4 : i32
      %dma_start3A_572 = arith.constant 0 : i32
      %dma_start3A_573 = arith.constant 0 : i32
      %dma_start3A_574 = tpu.memref_slice %arg9[%dma_start3A_571, %dma_start3A_572, %dma_start3A_573] : memref<8x128x32xf32, #tpu.memory_space<vmem>> -> memref<4x128x32xf32, #tpu.memory_space<vmem>>
      %dma_start3A_575 = arith.constant 0 : i32
      %dma_start3A_576 = arith.constant 0 : i32
      %dma_start3A_577 = tpu.memref_slice %arg4[%add3A_570, %dma_start3A_575, %dma_start3A_576] : memref<25600x128x32xf32, #tpu.memory_space<hbm>> -> memref<4x128x32xf32, #tpu.memory_space<hbm>>
      %dma_start3A_578 = arith.constant 0 : i32
      %dma_start3A_579 = arith.constant 0 : i32
      %dma_start3A_580 = tpu.memref_slice %arg4[%add3A_570, %dma_start3A_578, %dma_start3A_579] : memref<25600x128x32xf32, #tpu.memory_space<hbm>> -> memref<4x128x32xf32, #tpu.memory_space<hbm>>
      %dma_start3A_581 = arith.constant 4 : i32
      %dma_start3A_582 = arith.constant 0 : i32
      %dma_start3A_583 = arith.constant 0 : i32
      %dma_start3A_584 = tpu.memref_slice %arg9[%dma_start3A_581, %dma_start3A_582, %dma_start3A_583] : memref<8x128x32xf32, #tpu.memory_space<vmem>> -> memref<4x128x32xf32, #tpu.memory_space<vmem>>
      tpu.enqueue_dma source(%dma_start3A_584 : memref<4x128x32xf32, #tpu.memory_space<vmem>>) target(%dma_start3A_580 : memref<4x128x32xf32, #tpu.memory_space<hbm>>) target_semaphore(%arg16 : memref<!tpu.dma_semaphore, #tpu.memory_space<semaphore_mem>>)
    }
    %scan3A_20 = arith.constant 50 : i32
    %dma_wait3A = arith.constant 0 : i32
    %dma_wait3A_21 = tpu.memref_slice %arg2[%mul3A_2, %dma_wait3A] : memref<25600x128xi32, #tpu.memory_space<hbm>> -> memref<8x128xi32, #tpu.memory_space<hbm>>
    %dma_wait3A_22 = arith.constant 0 : i32
    %dma_wait3A_23 = tpu.memref_slice %arg2[%mul3A_2, %dma_wait3A_22] : memref<25600x128xi32, #tpu.memory_space<hbm>> -> memref<8x128xi32, #tpu.memory_space<hbm>>
    tpu.wait_dma2 semaphore(%arg10 : memref<!tpu.dma_semaphore, #tpu.memory_space<semaphore_mem>>) src(%dma_wait3A_23 : memref<8x128xi32, #tpu.memory_space<hbm>>) dst(%arg6 : memref<8x128xi32, #tpu.memory_space<vmem>>)
    %dma_wait3A_24 = arith.constant 0 : i32
    %dma_wait3A_25 = arith.constant 0 : i32
    %dma_wait3A_26 = arith.constant 0 : i32
    %dma_wait3A_27 = tpu.memref_slice %arg8[%dma_wait3A_24, %dma_wait3A_25, %dma_wait3A_26] : memref<8x128x32xf32, #tpu.memory_space<vmem>> -> memref<4x128x32xf32, #tpu.memory_space<vmem>>
    %dma_wait3A_28 = arith.constant 0 : i32
    %dma_wait3A_29 = arith.constant 0 : i32
    %dma_wait3A_30 = tpu.memref_slice %arg4[%mul3A_2, %dma_wait3A_28, %dma_wait3A_29] : memref<25600x128x32xf32, #tpu.memory_space<hbm>> -> memref<4x128x32xf32, #tpu.memory_space<hbm>>
    %dma_wait3A_31 = arith.constant 0 : i32
    %dma_wait3A_32 = arith.constant 0 : i32
    %dma_wait3A_33 = tpu.memref_slice %arg4[%mul3A_2, %dma_wait3A_31, %dma_wait3A_32] : memref<25600x128x32xf32, #tpu.memory_space<hbm>> -> memref<4x128x32xf32, #tpu.memory_space<hbm>>
    %dma_wait3A_34 = arith.constant 0 : i32
    %dma_wait3A_35 = arith.constant 0 : i32
    %dma_wait3A_36 = arith.constant 0 : i32
    %dma_wait3A_37 = tpu.memref_slice %arg8[%dma_wait3A_34, %dma_wait3A_35, %dma_wait3A_36] : memref<8x128x32xf32, #tpu.memory_space<vmem>> -> memref<4x128x32xf32, #tpu.memory_space<vmem>>
    tpu.wait_dma2 semaphore(%arg13 : memref<!tpu.dma_semaphore, #tpu.memory_space<semaphore_mem>>) src(%dma_wait3A_37 : memref<4x128x32xf32, #tpu.memory_space<vmem>>) dst(%dma_wait3A_33 : memref<4x128x32xf32, #tpu.memory_space<hbm>>)
    %dma_wait3A_38 = arith.constant 4 : i32
    %dma_wait3A_39 = arith.constant 0 : i32
    %dma_wait3A_40 = arith.constant 0 : i32
    %dma_wait3A_41 = tpu.memref_slice %arg8[%dma_wait3A_38, %dma_wait3A_39, %dma_wait3A_40] : memref<8x128x32xf32, #tpu.memory_space<vmem>> -> memref<4x128x32xf32, #tpu.memory_space<vmem>>
    %dma_wait3A_42 = arith.constant 0 : i32
    %dma_wait3A_43 = arith.constant 0 : i32
    %dma_wait3A_44 = tpu.memref_slice %arg4[%mul3A_2, %dma_wait3A_42, %dma_wait3A_43] : memref<25600x128x32xf32, #tpu.memory_space<hbm>> -> memref<4x128x32xf32, #tpu.memory_space<hbm>>
    %dma_wait3A_45 = arith.constant 0 : i32
    %dma_wait3A_46 = arith.constant 0 : i32
    %dma_wait3A_47 = tpu.memref_slice %arg4[%mul3A_2, %dma_wait3A_45, %dma_wait3A_46] : memref<25600x128x32xf32, #tpu.memory_space<hbm>> -> memref<4x128x32xf32, #tpu.memory_space<hbm>>
    %dma_wait3A_48 = arith.constant 4 : i32
    %dma_wait3A_49 = arith.constant 0 : i32
    %dma_wait3A_50 = arith.constant 0 : i32
    %dma_wait3A_51 = tpu.memref_slice %arg8[%dma_wait3A_48, %dma_wait3A_49, %dma_wait3A_50] : memref<8x128x32xf32, #tpu.memory_space<vmem>> -> memref<4x128x32xf32, #tpu.memory_space<vmem>>
    tpu.wait_dma2 semaphore(%arg14 : memref<!tpu.dma_semaphore, #tpu.memory_space<semaphore_mem>>) src(%dma_wait3A_51 : memref<4x128x32xf32, #tpu.memory_space<vmem>>) dst(%dma_wait3A_47 : memref<4x128x32xf32, #tpu.memory_space<hbm>>)
    %dma_wait3A_52 = arith.constant 0 : i32
    %dma_wait3A_53 = tpu.memref_slice %arg2[%mul3A_2, %dma_wait3A_52] : memref<25600x128xi32, #tpu.memory_space<hbm>> -> memref<8x128xi32, #tpu.memory_space<hbm>>
    %dma_wait3A_54 = arith.constant 0 : i32
    %dma_wait3A_55 = tpu.memref_slice %arg2[%mul3A_2, %dma_wait3A_54] : memref<25600x128xi32, #tpu.memory_space<hbm>> -> memref<8x128xi32, #tpu.memory_space<hbm>>
    tpu.wait_dma2 semaphore(%arg11 : memref<!tpu.dma_semaphore, #tpu.memory_space<semaphore_mem>>) src(%dma_wait3A_55 : memref<8x128xi32, #tpu.memory_space<hbm>>) dst(%arg7 : memref<8x128xi32, #tpu.memory_space<vmem>>)
    %dma_wait3A_56 = arith.constant 0 : i32
    %dma_wait3A_57 = arith.constant 0 : i32
    %dma_wait3A_58 = arith.constant 0 : i32
    %dma_wait3A_59 = tpu.memref_slice %arg9[%dma_wait3A_56, %dma_wait3A_57, %dma_wait3A_58] : memref<8x128x32xf32, #tpu.memory_space<vmem>> -> memref<4x128x32xf32, #tpu.memory_space<vmem>>
    %dma_wait3A_60 = arith.constant 0 : i32
    %dma_wait3A_61 = arith.constant 0 : i32
    %dma_wait3A_62 = tpu.memref_slice %arg4[%mul3A_2, %dma_wait3A_60, %dma_wait3A_61] : memref<25600x128x32xf32, #tpu.memory_space<hbm>> -> memref<4x128x32xf32, #tpu.memory_space<hbm>>
    %dma_wait3A_63 = arith.constant 0 : i32
    %dma_wait3A_64 = arith.constant 0 : i32
    %dma_wait3A_65 = tpu.memref_slice %arg4[%mul3A_2, %dma_wait3A_63, %dma_wait3A_64] : memref<25600x128x32xf32, #tpu.memory_space<hbm>> -> memref<4x128x32xf32, #tpu.memory_space<hbm>>
    %dma_wait3A_66 = arith.constant 0 : i32
    %dma_wait3A_67 = arith.constant 0 : i32
    %dma_wait3A_68 = arith.constant 0 : i32
    %dma_wait3A_69 = tpu.memref_slice %arg9[%dma_wait3A_66, %dma_wait3A_67, %dma_wait3A_68] : memref<8x128x32xf32, #tpu.memory_space<vmem>> -> memref<4x128x32xf32, #tpu.memory_space<vmem>>
    tpu.wait_dma2 semaphore(%arg15 : memref<!tpu.dma_semaphore, #tpu.memory_space<semaphore_mem>>) src(%dma_wait3A_69 : memref<4x128x32xf32, #tpu.memory_space<vmem>>) dst(%dma_wait3A_65 : memref<4x128x32xf32, #tpu.memory_space<hbm>>)
    %dma_wait3A_70 = arith.constant 4 : i32
    %dma_wait3A_71 = arith.constant 0 : i32
    %dma_wait3A_72 = arith.constant 0 : i32
    %dma_wait3A_73 = tpu.memref_slice %arg9[%dma_wait3A_70, %dma_wait3A_71, %dma_wait3A_72] : memref<8x128x32xf32, #tpu.memory_space<vmem>> -> memref<4x128x32xf32, #tpu.memory_space<vmem>>
    %dma_wait3A_74 = arith.constant 0 : i32
    %dma_wait3A_75 = arith.constant 0 : i32
    %dma_wait3A_76 = tpu.memref_slice %arg4[%mul3A_2, %dma_wait3A_74, %dma_wait3A_75] : memref<25600x128x32xf32, #tpu.memory_space<hbm>> -> memref<4x128x32xf32, #tpu.memory_space<hbm>>
    %dma_wait3A_77 = arith.constant 0 : i32
    %dma_wait3A_78 = arith.constant 0 : i32
    %dma_wait3A_79 = tpu.memref_slice %arg4[%mul3A_2, %dma_wait3A_77, %dma_wait3A_78] : memref<25600x128x32xf32, #tpu.memory_space<hbm>> -> memref<4x128x32xf32, #tpu.memory_space<hbm>>
    %dma_wait3A_80 = arith.constant 4 : i32
    %dma_wait3A_81 = arith.constant 0 : i32
    %dma_wait3A_82 = arith.constant 0 : i32
    %dma_wait3A_83 = tpu.memref_slice %arg9[%dma_wait3A_80, %dma_wait3A_81, %dma_wait3A_82] : memref<8x128x32xf32, #tpu.memory_space<vmem>> -> memref<4x128x32xf32, #tpu.memory_space<vmem>>
    tpu.wait_dma2 semaphore(%arg16 : memref<!tpu.dma_semaphore, #tpu.memory_space<semaphore_mem>>) src(%dma_wait3A_83 : memref<4x128x32xf32, #tpu.memory_space<vmem>>) dst(%dma_wait3A_79 : memref<4x128x32xf32, #tpu.memory_space<hbm>>)
    return
  }
}

</mosaic_0001>

<sc_bundles>
// kernel: kernel.3.cloned.1.call-start
scs
__scs_entry_jumppad:
0x0: {  	(pc) =	sbr.rel $0x88, $3  }
0x1: {  	(tag) =	ssettag $0x0;
	lr =	simm.s32 $0x1  }
0x2: {  	[smem:$0x3F9F] =	sst lr;
	_ =	strace $0xD0000000  }
0x3: {  	_ = 	snop  }
0x4: {  	_ = 	snop  }
0x5: {  	_ = 	snop  }
0x6: {  	_ = 	snop  }
0x7: {  	_ = 	snop  }
__scs_overlays_trampoline_lowered:
0x8: {  	[smem:$0x3FAE] =	sst s0  }
0x9: {  	[smem:$0x3FAF] =	sst s1  }
0xa: {  	[smem:$0x3FB0] =	sst s2  }
0xb: {  	[smem:$0x3FB1] =	sst s3  }
0xc: {  	[smem:$0x3FB2] =	sst s4  }
0xd: {  	[smem:$0x3FB3] =	sst s5  }
0xe: {  	[smem:$0x3FB4] =	sst s6  }
0xf: {  	[smem:$0x3FB5] =	sst s7  }
0x10: {  	[smem:$0x3FB6] =	sst s8  }
0x11: {  	[smem:$0x3FB7] =	sst s9;
	s0 =	simm.s32 @!p0 $0x0  }
0x12: {  	s1 =	sld [smem:$0x3F9D];
	s0 =	simm.s32 @p0 $0x1  }
0x13: {  	[smem:$0x3FB8] =	sst s0;
	s0 =	simm.s32 @!p1 $0x0  }
0x14: {  	s2 =	sld [smem:$0x3F9C];
	s0 =	simm.s32 @p1 $0x1  }
0x15: {  	[smem:$0x3FB9] =	sst s0;
	s0 =	simm.s32 @!p2 $0x0  }
0x16: {  	s3 =	sld [smem:$0x3FDB];
	s0 =	simm.s32 @p2 $0x1  }
0x17: {  	s4 =	simm.s32 $0x1BF5;
	[smem:$0x3FBB] =	sst s0  }
0x18: {  	s0 =	sld [smem:$0x3F9E];
	_ =	swait.ge [sflag:s4], $0x0  }
0x19: {  	s7 =	sld [smem:$0x3F9F]  }
0x1a: {  	s8 =	sadd.s32 $0xFFFFE003, lr  }
0x1b: {  	s9 =	sadd.s32 $0xFFFFFEF7, lr;
	s5 =	simm.s32 $0xFFFFFFFF;
	p2 =	slt.u32 s8, $0xFFFFF086  }
0x1c: {  	p1 =	slt.u32 s9, $0xF7A;
	s5 =	simm.s32 @!p2 $0x0  }
0x1d: {  	s5 =	simm.s32 @p1 $0x1;
	p0 =	seq.s32 s7, s2  }
0x1e: {  	s7 =	smul.u32 @!p0 $0xF7A, s2;
	p2 =	seq.s32 @!p0 s5, $0x0  }
0x1f: {  	s9 =	smul.u32 $0xF7A, s1;
	s8 =	simm.s32 @!p0 $0x1BF5;
	p2 =	por !p2, p0  }
0x20: {  	[sflag:s8] =	ssyncset.s32 @!p0 $0xFFFFF086;
	s6 =	sadd.s32 @!p0 s3, s7;
	s7 =	simm.s32 @!p0 $0x108  }
0x21: {  	s3 =	sadd.s32 s3, s9;
	s6 =	sadd.s32 @!p0 $0x88, s6;
	s7 =	simm.s32 @p2 $0x1082  }
0x22: {  	[simem:s7], [sflag:s8] =	dma.local @!p0 [hbm:s6], $0xF7A  }
0x23: {  	s9 =	sor.u32 $0xD0000000, s2;
	s6 =	simm.s32 $0x108;
	_ =	swait.ge @!p0 [sflag:s8], $0x0  }
0x24: {  	s3 =	sadd.s32 $0x88, s3;
	s6 =	simm.s32 @!p1 $0x1082;
	[sflag:s4] =	ssyncset.s32 $0xFFFFF086  }
0x25: {  	[simem:s6], [sflag:s4] =	dma.local [hbm:s3], $0xF7A  }
0x26: {  	[smem:$0x3F9F] =	sst s1;
	(tag) =	ssettag s2;
	_ =	strace s9  }
0x27: {  	s1 =	sld [smem:$0x3FAF]  }
0x28: {  	s2 =	sld [smem:$0x3FB0]  }
0x29: {  	s4 =	sld [smem:$0x3FB2]  }
0x2a: {  	p0 =	seq.s32 s5, $0x0;
	s5 =	sld [smem:$0x3FB3]  }
0x2b: {  	s6 =	sld [smem:$0x3FB4]  }
0x2c: {  	s7 =	sld [smem:$0x3FB5]  }
0x2d: {  	s3 =	simm.s32 $0x108;
	s8 =	sld [smem:$0x3FB6]  }
0x2e: {  	s3 =	simm.s32 @!p0 $0x1082;
	s9 =	sld [smem:$0x3FB7]  }
0x2f: {  	lr =	sadd.s32 s0, s3;
	s0 =	sld [smem:$0x3FAE]  }
0x30: {  	s3 =	sld [smem:$0x3FB1]  }
0x31: {  	[smem:$0x3FBA] =	sst s10  }
0x32: {  	s10 =	sld [smem:$0x3FB8];
	_ =	sdelay $0x3  }
0x33: {  	p0 =	seq.s32 s10, $0x1;
	s10 =	sld [smem:$0x3FBA];
	_ =	sdelay $0x3  }
0x34: {  	[smem:$0x3FBA] =	sst s10  }
0x35: {  	s10 =	sld [smem:$0x3FB9];
	_ =	sdelay $0x3  }
0x36: {  	p1 =	seq.s32 s10, $0x1;
	s10 =	sld [smem:$0x3FBA];
	_ =	sdelay $0x3  }
0x37: {  	[smem:$0x3FBA] =	sst s10  }
0x38: {  	s10 =	sld [smem:$0x3FBB]  }
0x39: {  	_ = 	snop;
	(pc) =	sbr.ind lr, $3  }
0x3a: {  	_ = 	snop  }
0x3b: {  	_ = 	snop  }
0x3c: {  	p2 =	seq.s32 s10, $0x1;
	s10 =	sld [smem:$0x3FBA]  }
0x3d: {  	_ =	shalt  }
0x3e: {  	_ =	shalt  }
0x3f: {  	_ =	shalt  }
0x40: {  	_ =	shalt  }
0x41: {  	_ =	shalt  }
0x42: {  	_ =	shalt  }
0x43: {  	_ =	shalt  }
0x44: {  	_ =	shalt  }
0x45: {  	_ =	shalt  }
0x46: {  	_ =	shalt  }
0x47: {  	_ =	shalt  }
0x48: {  	_ =	shalt  }
0x49: {  	_ =	shalt  }
0x4a: {  	_ =	shalt  }
0x4b: {  	_ =	shalt  }
0x4c: {  	_ =	shalt  }
0x4d: {  	_ =	shalt  }
0x4e: {  	_ =	shalt  }
0x4f: {  	_ =	shalt  }
0x50: {  	_ =	shalt  }
0x51: {  	_ =	shalt  }
0x52: {  	_ =	shalt  }
0x53: {  	_ =	shalt  }
0x54: {  	_ =	shalt  }
0x55: {  	_ =	shalt  }
0x56: {  	_ =	shalt  }
0x57: {  	_ =	shalt  }
0x58: {  	_ =	shalt  }
0x59: {  	_ =	shalt  }
0x5a: {  	_ =	shalt  }
0x5b: {  	_ =	shalt  }
0x5c: {  	_ =	shalt  }
0x5d: {  	_ =	shalt  }
0x5e: {  	_ =	shalt  }
0x5f: {  	_ =	shalt  }
0x60: {  	_ =	shalt  }
0x61: {  	_ =	shalt  }
0x62: {  	_ =	shalt  }
0x63: {  	_ =	shalt  }
0x64: {  	_ =	shalt  }
0x65: {  	_ =	shalt  }
0x66: {  	_ =	shalt  }
0x67: {  	_ =	shalt  }
0x68: {  	_ =	shalt  }
0x69: {  	_ =	shalt  }
0x6a: {  	_ =	shalt  }
0x6b: {  	_ =	shalt  }
0x6c: {  	_ =	shalt  }
0x6d: {  	_ =	shalt  }
0x6e: {  	_ =	shalt  }
0x6f: {  	_ =	shalt  }
0x70: {  	_ =	shalt  }
0x71: {  	_ =	shalt  }
0x72: {  	_ =	shalt  }
0x73: {  	_ =	shalt  }
0x74: {  	_ =	shalt  }
0x75: {  	_ =	shalt  }
0x76: {  	_ =	shalt  }
0x77: {  	_ =	shalt  }
0x78: {  	_ =	shalt  }
0x79: {  	_ =	shalt  }
0x7a: {  	_ =	shalt  }
0x7b: {  	_ =	shalt  }
0x7c: {  	_ =	shalt  }
0x7d: {  	_ =	shalt  }
0x7e: {  	_ =	shalt  }
0x7f: {  	_ =	shalt  }
0x80: {  	_ =	shalt  }
0x81: {  	_ =	shalt  }
0x82: {  	_ =	shalt  }
0x83: {  	_ =	shalt  }
0x84: {  	_ =	shalt  }
0x85: {  	_ =	shalt  }
0x86: {  	_ =	shalt  }
0x87: {  	_ =	shalt  }
.Lfunc_end0:
.L_simem_size_0:
called_computation.1_lowered:
.L_overlay_start_0:
0x88: {  	s2 =	sld [smem:$0x3FD9]  }
0x89: {  	s3 =	sld [smem:$0x3FFE];
	_ =	sdelay $0x1  }
0x8a: {  	s1 =	srdreg.scid  }
0x8b: {  	s0 =	sand.u32 $0x1, s1  }
0x8c: {  	s17 =	sshll.u32 s0, $0xA;
	s2 =	sadd.s32 s3, s2  }
0x8d: {  	s2 =	sadd.s32 s2, s17  }
0x8e: {  	[smem:$0x3FC6] =	sst s2  }
0x8f: {  	_ = 	snop  }
0x90: {  	s2 =	sld [smem:$0x3FD0];
	(tm) =	ssettm $0x1  }
0x91: {  	s18 =	sld [smem:$0x3FFB];
	_ =	sdelay $0x3  }
0x92: {  	_ =	strace s18  }
0x93: {  	s3 =	sld [smem:$0x3FFC];
	_ =	sdelay $0x3  }
0x94: {  	_ =	strace s3  }
0x95: {  	s3 =	sld [smem:$0x3FFD];
	_ =	sdelay $0x3  }
0x96: {  	_ =	strace s3  }
0x97: {  	_ =	strace $0x8FFFFFFF  }
0x98: {  	s19 =	sld [smem:$0x3FDB];
	_ =	sdelay $0x1  }
0x99: {  	s4 =	simm.s32 $_scs_section_size  }
0x9a: {  	s5 =	simm.s32 $_size__tile_overlayer_lowered;
	s6 =	simm.s32 $_tile_overlayer_lowered  }
0x9b: {  	s22 =	simm.s32 $0x1BFF;
	s21 =	sshll.u32 s6, $0x1;
	s3 =	sadd.s32 s4, s19  }
0x9c: {  	s7 =	simm.s32 $0x0;
	s20 =	sshll.u32 s5, $0x1;
	s5 =	sadd.s32 s21, s3  }
0x9d: {  	[timem:s7], [sflag:s22] =	dma.local [hbm:s5], s20  }
0x9e: {  	_ =	swait.ge [sflag:s22], s20  }
0x9f: {  	s4 =	ssub.s32 $0x0, s20;
	[sflag:s22] =	ssyncset.done $0x0  }
0xa0: {  	[sflag:s22] =	ssyncadd.s32 s4;
	_ =	sdelay $0x1  }
0xa1: {  	s23 =	simm.s32 $0x1B8B  }
0xa2: {  	_ =	swait.ge [sflag:s23], $0x1  }
0xa3: {  	[sflag:s23] =	ssyncset.done $0x0  }
0xa4: {  	s25 =	simm.s32 $0x1B8E;
	s24 =	sld [smem:$0x3FFE];
	[sflag:s23] =	ssyncadd.s32 $0xFFFFFFFF  }
0xa5: {  	s26 =	simm.s32 $execute0_lowered;
	[smem:$0x3FD2] =	sst s25  }
0xa6: {  	s5 =	sshll.u32 s26, $0x1;
	_ =	strace $0x80000046;
	[dreg:$0x1] =	wrdreg $0xFFFFFFFF  }
0xa7: {  	s28 =	simm.s32 $_size_execute0_lowered;
	s3 =	sadd.s32 s3, s5;
	[dreg:$0x0] =	wrdreg $0x0  }
0xa8: {  	s5 =	sshll.u32 s28, $0x1;
	[dreg:$0x2] =	wrdreg s3  }
0xa9: {  	[dreg:$0x3] =	wrdreg s5  }
0xaa: {  	[dreg:$0x4] =	wrdreg $0xC0  }
0xab: {  	_ =	task [dreg:s7], $0x5FFFF  }
0xac: {  	[dreg:$0x1] =	wrdreg $0xFFFFFFFF  }
0xad: {  	[dreg:$0x0] =	wrdreg $0x60  }
0xae: {  	[dreg:$0x2] =	wrdreg s24  }
0xaf: {  	[dreg:$0x3] =	wrdreg s2  }
0xb0: {  	[dreg:$0x4] =	wrdreg $0x0  }
0xb1: {  	[dreg:$0x5] =	wrdreg $0x9  }
0xb2: {  	_ =	task.clear_ibuf [dreg:s7], $0x6FFFF;
	_ =	strace $0x90000046  }
0xb3: {  	s29 =	simm.s32 $0x9;
	_ =	strace $0x80000048  }
0xb4: {  	_ =	swait.ge [sflag:s29], $0x1  }
0xb5: {  	[sflag:s29] =	ssyncadd.s32 $0xFFFFFFFF  }
0xb6: {  	_ =	strace $0x90000048  }
0xb7: {  	_ =	sfence  }
0xb8: {  	s30 =	sld [smem:$0x0];
	_ =	sdelay $0x2  }
0xb9: {  	s31 =	sshll.u32 s1, $0xD;
	s1 =	sshrl.u32 s1, $0x2  }
0xba: {  	s3 =	sand.u32 $0x4000, s31;
	s1 =	sadd.s32 s1, s30  }
0xbb: {  	s0 =	sor.u32 s3, s0;
	s1 =	sshll.u32 s1, $0x11  }
0xbc: {  	s0 =	sor.u32 s1, s0  }
0xbd: {  	s0 =	sadd.s32 $0x8F2B, s0  }
0xbe: {  	[sflag:s0] =	ssyncadd.remote.s32 $0x1  }
0xbf: {  	_ =	sfence.sel $0xFFFF  }
0xc0: {  	[dreg:$0x0] =	wrdreg $0xFFFFFFFF;
	(pc) =	sbr.abs _section_cstart, $3  }
0xc1: {  	[dreg:$0x1] =	wrdreg $0xFFFFFFFF  }
0xc2: {  	_ =	task.clear_ibuf [dreg:s7], $0x2FFFF;
	_ =	strace $0x9FFFFFFF  }
0xc3: {  	(tm) =	ssettm $0x7FFFFFFF  }
tec
execute0_lowered:
.L_overlay_start_1:
0x0: {  	(tag) =	ssettag $0x1  }
0x1: {  	s4 =	rddreg [dreg:$0x0]  }
0x2: {  	s3 =	rddreg [dreg:$0x1]  }
0x3: {  	s1 =	rddreg [dreg:$0x2];
	s2 =	simm.s32 $0x0  }
0x4: {  	s12 =	simm.s32 $0x2900;
	[smem:$0x7FF] =	sst s2  }
0x5: {  	s13 =	simm.s32 $0x280;
	_ =	strace $0x80000047;
	[dreg:$0xb] =	wrdreg s12  }
0x6: {  	s15 =	sadd.s32 $0x800, s4;
	[dreg:$0xc] =	wrdreg s13  }
0x7: {  	s0 =	srdreg.scid;
	s14 =	simm.s32 $0x3900;
	[smem:$0x7F8] =	sst s15  }
0x8: {  	s8 =	stileid.u32;
	s16 =	simm.s32 $0x300;
	[dreg:$0xd] =	wrdreg s14  }
0x9: {  	s17 =	simm.s32 $0x380;
	s19 =	simm.s32 $0x5900;
	[dreg:$0xe] =	wrdreg s16  }
0xa: {  	s20 =	simm.s32 $0x400;
	s21 =	simm.s32 $0x6900;
	[dreg:$0xf] =	wrdreg s17  }
0xb: {  	s22 =	simm.s32 $0x480;
	s24 =	simm.s32 $0x7900;
	[dreg:$0x10] =	wrdreg s19  }
0xc: {  	s26 =	simm.s32 $0x580;
	s28 =	simm.s32 $0x9900;
	[dreg:$0x11] =	wrdreg s20  }
0xd: {  	s5 =	sand.u32 $0x1, s0;
	s9 =	smul.u32 $0x640, s8;
	[dreg:$0x12] =	wrdreg s21  }
0xe: {  	s29 =	sshll.u32 s8, $0x1;
	s30 =	smul.u32 $0xC8000, s8;
	[dreg:$0x13] =	wrdreg s22  }
0xf: {  	p0 =	sne.s32 s8, $0x0;
	s10 =	smul.u32 $0x320, s5;
	[dreg:$0x14] =	wrdreg s24  }
0x10: {  	s6 =	sor.u32 s5, s29;
	s31 =	smul.u32 $0x64000, s5;
	[dreg:$0x15] =	wrdreg s26  }
0x11: {  	s5 =	ssub.s32 $0x2, s5;
	[dreg:$0x16] =	wrdreg s28;
	s29 =	simm.s32 $0x600  }
0x12: {  	s12 =	simm.s32 $0x680;
	s13 =	simm.s32 $0xB900;
	s14 =	simm.s32 $0x700  }
0x13: {  	s15 =	simm.s32 $0x780;
	s16 =	simm.s32 $0xD900;
	[dreg:$0x17] =	wrdreg s29  }
0x14: {  	s17 =	simm.s32 $0x800;
	s19 =	simm.s32 $0x880;
	[dreg:$0x19] =	wrdreg s12  }
0x15: {  	s20 =	simm.s32 $0x5;
	s21 =	simm.s32 $0x6;
	[dreg:$0x1a] =	wrdreg s13  }
0x16: {  	s22 =	simm.s32 $0x7;
	s7 =	smul.u32 $0x19000, s6;
	[dreg:$0x1b] =	wrdreg s14  }
0x17: {  	s18 =	sshrl.u32 s5, $0x1;
	s6 =	smul.u32 $0x3200, s6;
	[dreg:$0x1c] =	wrdreg s15  }
0x18: {  	s12 =	simm.s32 $0x80;
	s13 =	simm.s32 $0x900;
	[dreg:$0x1d] =	wrdreg s16  }
0x19: {  	s14 =	simm.s32 $0x4900;
	s15 =	simm.s32 $0x3;
	[dreg:$0x1e] =	wrdreg s17  }
0x1a: {  	[smem:$0x7FC] =	sst s19;
	s9 =	sadd.s32 s10, s9;
	s10 =	simm.s32 $0x1900  }
0x1b: {  	s16 =	simm.s32 $0x2;
	s11 =	sor.u32 $0x800, s7;
	[dreg:$0x9] =	wrdreg s10  }
0x1c: {  	s9 =	sshll.u32 s9, $0x9;
	s7 =	sor.u32 $0xC00, s7;
	[dreg:$0x4] =	wrdreg s11  }
0x1d: {  	s9 =	sadd.s32 s9, s3;
	[dreg:$0x5] =	wrdreg s7;
	s11 =	simm.s32 $0x200  }
0x1e: {  	s3 =	sadd.s32 s30, s3;
	s30 =	simm.s32 $0xA900;
	[dreg:$0xa] =	wrdreg s11  }
0x1f: {  	s17 =	simm.s32 $0x8900;
	s0 =	sadd.s32 $0x1000, s9;
	[dreg:$0x18] =	wrdreg s30  }
0x20: {  	s19 =	simm.s32 $0x4;
	s3 =	sadd.s32 s31, s3;
	[dreg:$0x6] =	wrdreg s0  }
0x21: {  	s10 =	simm.s32 $0x500;
	s9 =	simm.s32 $0x180;
	[dreg:$0x7] =	wrdreg s3  }
0x22: {  	s11 =	simm.s32 $0x1;
	s31 =	simm.s32 $0xF900;
	[dreg:$0x8] =	wrdreg s9  }
0x23: {  	s3 =	sadd.s32 $0xA00, s4;
	s0 =	sshrl.u32 @!p0 s1, $0x3;
	[smem:$0x7FD] =	sst s31  }
0x24: {  	s9 =	ssub.s32 s5, s18;
	s18 =	simm.s32 $0xE900;
	[smem:$0x7FB] =	sst s0  }
0x25: {  	s5 =	sadd.s32 s3, s6;
	s25 =	smax.u32 s9, $0x1;
	[dreg:$0x1f] =	wrdreg s18  }
0x26: {  	s9 =	simm.s32 $0x100;
	s23 =	sadd.s32 $0x80, s5;
	[smem:$0x7FA] =	sst s25  }
0x27: {  	s18 =	simm.s32 $0xC900;
	[smem:$0x7F9] =	sst s23;
	s23 =	simm.s32 $0x0  }
.LBB2_1:
0x28: {  	s0 =	sld [smem:$0x7F8]  }
0x29: {  	s4 =	sld [smem:$0x7FB];
	_ =	sdelay $0x1  }
0x2a: {  	s24 =	simm.s32 @!p0 $0x1C08  }
0x2b: {  	[spmem:s4], [sflag:s24] =	dma.local @!p0 [hbm:s0], $0x200  }
0x2c: {  	s24 =	simm.s32 @!p0 $0x8  }
0x2d: {  	_ =	swait.ge @!p0 [sflag:s24], $0x200  }
0x2e: {  	[sflag:s24] =	ssyncset.done @!p0 $0x0  }
0x2f: {  	[sflag:s24] =	ssyncadd.s32 @!p0 $0xFFFFFE00  }
0x30: {  	[bflag:$0x0] =	sbarrier.arrive $0xFFFF  }
0x31: {  	s4 =	sld [smem:$0x7F9]  }
0x32: {  	[tilespmem:s9], [sflag:$0x1] =	stream.linear.gather [hbm4b:s5+s2], $0x400, $0x38;
	[tilespmem:$0x10900] =	vst v63  }
0x33: {  	_ = 	snop  }
0x34: {  	[tilespmem:s10], [sflag:$0x2] =	stream.linear.gather [hbm4b:s4+s2], $0x400, $0x38;
	[tilespmem:$0x10900] =	vst v63  }
0x35: {  	_ =	swait.ge [sflag:s11], $0x400  }
0x36: {  	p1 =	por $0x1, $0x1;
	[sflag:s11] =	ssyncset.done $0x0  }
0x37: {  	s24 =	simm.s32 @!p1 $0x4;
	[sflag:s11] =	ssyncadd.s32 $0xFFFFFC00  }
0x38: {  	_ =	swait.ge @!p1 [sflag:s24], $0x4000  }
0x39: {  	[sflag:s24] =	ssyncset.done @!p1 $0x0  }
0x3a: {  	s25 =	simm.s32 @!p1 $0x5;
	[sflag:s24] =	ssyncadd.s32 @!p1 $0xFFFFC000  }
0x3b: {  	_ =	swait.ge @!p1 [sflag:s25], $0x4000  }
0x3c: {  	s6 =	rddreg [dreg:$0xa]  }
0x3d: {  	s26 =	rddreg [dreg:$0x8]  }
0x3e: {  	s28 =	rddreg [dreg:$0x9]  }
0x3f: {  	s7 =	rddreg [dreg:$0xb]  }
0x40: {  	[sflag:s25] =	ssyncset.done @!p1 $0x0;
	s8 =	rddreg [dreg:$0xc]  }
0x41: {  	s29 =	rddreg [dreg:$0x10];
	[sflag:s25] =	ssyncadd.s32 @!p1 $0xFFFFC000  }
0x42: {  	[tilespmem:s13], [sflag:$0x3] =	stream.indirect.gather [spmem:s1], $0x20, s9, s12, $0xb8;
	[tilespmem:$0x10900] =	vst v63  }
0x43: {  	s30 =	rddreg [dreg:$0xe]  }
0x44: {  	[tilespmem:s28], [sflag:$0x3] =	stream.indirect.gather [spmem:s1], $0x20, s26, s12, $0xb8;
	[tilespmem:$0x10900] =	vst v63  }
0x45: {  	s31 =	rddreg [dreg:$0xf]  }
0x46: {  	[tilespmem:s7], [sflag:$0x3] =	stream.indirect.gather [spmem:s1], $0x20, s6, s12, $0xb8;
	[tilespmem:$0x10900] =	vst v63  }
0x47: {  	s28 =	rddreg [dreg:$0xd]  }
0x48: {  	[tilespmem:s28], [sflag:$0x3] =	stream.indirect.gather [spmem:s1], $0x20, s8, s12, $0xb8;
	[tilespmem:$0x10900] =	vst v63  }
0x49: {  	s0 =	rddreg [dreg:$0x11]  }
0x4a: {  	[tilespmem:s14], [sflag:$0x3] =	stream.indirect.gather [spmem:s1], $0x20, s30, s12, $0xb8;
	[tilespmem:$0x10900] =	vst v63  }
0x4b: {  	s4 =	rddreg [dreg:$0x13]  }
0x4c: {  	[tilespmem:s29], [sflag:$0x3] =	stream.indirect.gather [spmem:s1], $0x20, s31, s12, $0xb8;
	[tilespmem:$0x10900] =	vst v63  }
0x4d: {  	s28 =	rddreg [dreg:$0x12]  }
0x4e: {  	[tilespmem:s28], [sflag:$0x3] =	stream.indirect.gather [spmem:s1], $0x20, s0, s12, $0xb8;
	[tilespmem:$0x10900] =	vst v63  }
0x4f: {  	s6 =	rddreg [dreg:$0x14]  }
0x50: {  	[tilespmem:s6], [sflag:$0x3] =	stream.indirect.gather [spmem:s1], $0x20, s4, s12, $0xb8;
	[tilespmem:$0x10900] =	vst v63  }
0x51: {  	_ =	swait.ge [sflag:s15], $0x1000  }
0x52: {  	[sflag:s15] =	ssyncset.done $0x0  }
0x53: {  	[sflag:s15] =	ssyncadd.s32 $0xFFFFF000  }
0x54: {  	_ =	swait.ge [sflag:s15], $0x1000  }
0x55: {  	[sflag:s15] =	ssyncset.done $0x0  }
0x56: {  	[sflag:s15] =	ssyncadd.s32 $0xFFFFF000  }
0x57: {  	_ =	swait.ge [sflag:s15], $0x1000  }
0x58: {  	[sflag:s15] =	ssyncset.done $0x0  }
0x59: {  	[sflag:s15] =	ssyncadd.s32 $0xFFFFF000  }
0x5a: {  	_ =	swait.ge [sflag:s15], $0x1000  }
0x5b: {  	[sflag:s15] =	ssyncset.done $0x0  }
0x5c: {  	[sflag:s15] =	ssyncadd.s32 $0xFFFFF000  }
0x5d: {  	_ =	swait.ge [sflag:s15], $0x1000  }
0x5e: {  	[sflag:s15] =	ssyncset.done $0x0  }
0x5f: {  	[sflag:s15] =	ssyncadd.s32 $0xFFFFF000  }
0x60: {  	_ =	swait.ge [sflag:s15], $0x1000  }
0x61: {  	[sflag:s15] =	ssyncset.done $0x0  }
0x62: {  	[sflag:s15] =	ssyncadd.s32 $0xFFFFF000  }
0x63: {  	_ =	swait.ge [sflag:s15], $0x1000  }
0x64: {  	[sflag:s15] =	ssyncset.done $0x0  }
0x65: {  	[sflag:s15] =	ssyncadd.s32 $0xFFFFF000  }
0x66: {  	s8 =	smin.u32 s2, $0x61;
	_ =	swait.ge [sflag:s15], $0x1000  }
0x67: {  	s25 =	sshll.u32 s8, $0xA;
	s7 =	rddreg [dreg:$0x4]  }
0x68: {  	s24 =	sadd.s32 s25, s7  }
0x69: {  	[sflag:s15] =	ssyncset.done $0x0;
	s24 =	sshrl.u32 s24, $0x3  }
0x6a: {  	s26 =	rddreg [dreg:$0x7];
	[sflag:s15] =	ssyncadd.s32 $0xFFFFF000;
	s24 =	sadd.s32 s3, s24  }
0x6b: {  	[tilespmem:s9], [sflag:$0x1] =	stream.linear.gather [hbm4b:s24+s2], $0x400, $0x38;
	[tilespmem:$0x10900] =	vst v63  }
0x6c: {  	s29 =	sadd.s32 $0x0, s26  }
0x6d: {  	[hbm4b:s29+s2] =	stream.linear.scatter [tilespmem:s13], [sflag:$0x4], $0x4000, $0x38;
	[tilespmem:$0x10900] =	vst v63  }
0x6e: {  	s24 =	sadd.s32 $0x800, s29  }
0x6f: {  	[hbm4b:s24+s2] =	stream.linear.scatter [tilespmem:s14], [sflag:$0x5], $0x4000, $0x38;
	[tilespmem:$0x10900] =	vst v63  }
0x70: {  	_ =	swait.ge [sflag:s16], $0x400  }
0x71: {  	[sflag:s16] =	ssyncset.done $0x0  }
0x72: {  	s24 =	simm.s32 @!p1 $0x6;
	[sflag:s16] =	ssyncadd.s32 $0xFFFFFC00  }
0x73: {  	_ =	swait.ge @!p1 [sflag:s24], $0x4000  }
0x74: {  	[sflag:s24] =	ssyncset.done @!p1 $0x0  }
0x75: {  	[sflag:s24] =	ssyncadd.s32 @!p1 $0xFFFFC000;
	s24 =	simm.s32 @!p1 $0x7  }
0x76: {  	_ =	swait.ge @!p1 [sflag:s24], $0x4000  }
0x77: {  	s30 =	rddreg [dreg:$0x17]  }
0x78: {  	s31 =	rddreg [dreg:$0x15]  }
0x79: {  	s0 =	rddreg [dreg:$0x16]  }
0x7a: {  	s28 =	rddreg [dreg:$0x18]  }
0x7b: {  	s4 =	rddreg [dreg:$0x19]  }
0x7c: {  	[sflag:s24] =	ssyncset.done @!p1 $0x0;
	s6 =	rddreg [dreg:$0x1a]  }
0x7d: {  	s7 =	rddreg [dreg:$0x1d];
	[sflag:s24] =	ssyncadd.s32 @!p1 $0xFFFFC000  }
0x7e: {  	[tilespmem:s17], [sflag:$0x3] =	stream.indirect.gather [spmem:s1], $0x20, s10, s12, $0xb8;
	[tilespmem:$0x10900] =	vst v63  }
0x7f: {  	s8 =	rddreg [dreg:$0x1f]  }
0x80: {  	[tilespmem:s0], [sflag:$0x3] =	stream.indirect.gather [spmem:s1], $0x20, s31, s12, $0xb8;
	[tilespmem:$0x10900] =	vst v63  }
0x81: {  	s29 =	rddreg [dreg:$0x1c]  }
0x82: {  	[tilespmem:s28], [sflag:$0x3] =	stream.indirect.gather [spmem:s1], $0x20, s30, s12, $0xb8;
	[tilespmem:$0x10900] =	vst v63  }
0x83: {  	s31 =	sld [smem:$0x7FC]  }
0x84: {  	[tilespmem:s6], [sflag:$0x3] =	stream.indirect.gather [spmem:s1], $0x20, s4, s12, $0xb8;
	[tilespmem:$0x10900] =	vst v63  }
0x85: {  	s28 =	rddreg [dreg:$0x1b]  }
0x86: {  	[tilespmem:s18], [sflag:$0x3] =	stream.indirect.gather [spmem:s1], $0x20, s28, s12, $0xb8;
	[tilespmem:$0x10900] =	vst v63  }
0x87: {  	s30 =	sld [smem:$0x7FD]  }
0x88: {  	[tilespmem:s7], [sflag:$0x3] =	stream.indirect.gather [spmem:s1], $0x20, s29, s12, $0xb8;
	[tilespmem:$0x10900] =	vst v63  }
0x89: {  	s28 =	rddreg [dreg:$0x1e]  }
0x8a: {  	[tilespmem:s8], [sflag:$0x3] =	stream.indirect.gather [spmem:s1], $0x20, s28, s12, $0xb8;
	[tilespmem:$0x10900] =	vst v63  }
0x8b: {  	_ = 	snop  }
0x8c: {  	[tilespmem:s30], [sflag:$0x3] =	stream.indirect.gather [spmem:s1], $0x20, s31, s12, $0xb8;
	[tilespmem:$0x10900] =	vst v63  }
0x8d: {  	_ =	swait.ge [sflag:s15], $0x1000  }
0x8e: {  	[sflag:s15] =	ssyncset.done $0x0  }
0x8f: {  	[sflag:s15] =	ssyncadd.s32 $0xFFFFF000  }
0x90: {  	_ =	swait.ge [sflag:s15], $0x1000  }
0x91: {  	[sflag:s15] =	ssyncset.done $0x0  }
0x92: {  	[sflag:s15] =	ssyncadd.s32 $0xFFFFF000  }
0x93: {  	_ =	swait.ge [sflag:s15], $0x1000  }
0x94: {  	[sflag:s15] =	ssyncset.done $0x0  }
0x95: {  	[sflag:s15] =	ssyncadd.s32 $0xFFFFF000  }
0x96: {  	_ =	swait.ge [sflag:s15], $0x1000  }
0x97: {  	[sflag:s15] =	ssyncset.done $0x0  }
0x98: {  	[sflag:s15] =	ssyncadd.s32 $0xFFFFF000  }
0x99: {  	_ =	swait.ge [sflag:s15], $0x1000  }
0x9a: {  	[sflag:s15] =	ssyncset.done $0x0  }
0x9b: {  	[sflag:s15] =	ssyncadd.s32 $0xFFFFF000  }
0x9c: {  	_ =	swait.ge [sflag:s15], $0x1000  }
0x9d: {  	[sflag:s15] =	ssyncset.done $0x0  }
0x9e: {  	[sflag:s15] =	ssyncadd.s32 $0xFFFFF000  }
0x9f: {  	_ =	swait.ge [sflag:s15], $0x1000  }
0xa0: {  	s26 =	simm.s32 $0x2000;
	s25 =	smin.u32 s2, $0x60;
	[sflag:s15] =	ssyncset.done $0x0  }
0xa1: {  	s24 =	simm.s32 $0x0;
	s28 =	simm.s32 $0x0;
	[sflag:s15] =	ssyncadd.s32 $0xFFFFF000  }
.LBB2_2:
0xa2: {  	_ =	swait.ge [sflag:s15], $0x1000  }
0xa3: {  	s0 =	sshll.u32 s25, $0xA;
	s31 =	rddreg [dreg:$0x5]  }
0xa4: {  	s0 =	sadd.s32 s0, s31  }
0xa5: {  	[sflag:s15] =	ssyncset.done $0x0;
	s0 =	sshrl.u32 s0, $0x3  }
0xa6: {  	s4 =	rddreg [dreg:$0x6];
	[sflag:s15] =	ssyncadd.s32 $0xFFFFF000;
	s0 =	sadd.s32 s3, s0  }
0xa7: {  	[tilespmem:s10], [sflag:$0x2] =	stream.linear.gather [hbm4b:s0+s2], $0x400, $0x38;
	[tilespmem:$0x10900] =	vst v63  }
0xa8: {  	s29 =	smov.u32 s26;
	s4 =	sadd.s32 s24, s4  }
0xa9: {  	[hbm4b:s4+s2] =	stream.linear.scatter [tilespmem:s17], [sflag:$0x6], $0x4000, $0x38;
	[tilespmem:$0x10900] =	vst v63  }
0xaa: {  	s24 =	smov.u32 s29;
	s29 =	sadd.s32 $0x800, s4  }
0xab: {  	[hbm4b:s29+s2] =	stream.linear.scatter [tilespmem:s18], [sflag:$0x7], $0x4000, $0x38;
	[tilespmem:$0x10900] =	vst v63  }
0xac: {  	_ =	swait.ge [sflag:s11], $0x400  }
0xad: {  	p2 =	seq.s32 s24, $0x0;
	[sflag:s11] =	ssyncset.done $0x0  }
0xae: {  	s0 =	simm.s32 @!p2 $0x4;
	[sflag:s11] =	ssyncadd.s32 $0xFFFFFC00  }
0xaf: {  	_ =	swait.ge @!p2 [sflag:s0], $0x4000  }
0xb0: {  	[sflag:s0] =	ssyncset.done @!p2 $0x0  }
0xb1: {  	s4 =	simm.s32 @!p2 $0x5;
	[sflag:s0] =	ssyncadd.s32 @!p2 $0xFFFFC000  }
0xb2: {  	_ =	swait.ge @!p2 [sflag:s4], $0x4000  }
0xb3: {  	s28 =	sadd.s32 $0x2, s28;
	s0 =	rddreg [dreg:$0x10]  }
0xb4: {  	s30 =	smin.u32 s28, $0x60;
	s29 =	rddreg [dreg:$0xc]  }
0xb5: {  	s25 =	smov.u32 s30;
	s30 =	rddreg [dreg:$0xa]  }
0xb6: {  	s31 =	rddreg [dreg:$0xb]  }
0xb7: {  	s6 =	rddreg [dreg:$0x8];
	[sflag:s4] =	ssyncset.done @!p2 $0x0  }
0xb8: {  	s7 =	rddreg [dreg:$0x9];
	[sflag:s4] =	ssyncadd.s32 @!p2 $0xFFFFC000  }
0xb9: {  	[tilespmem:s13], [sflag:$0x3] =	stream.indirect.gather [spmem:s1], $0x20, s9, s12, $0xb8;
	[tilespmem:$0x10900] =	vst v63  }
0xba: {  	s8 =	rddreg [dreg:$0xe]  }
0xbb: {  	[tilespmem:s7], [sflag:$0x3] =	stream.indirect.gather [spmem:s1], $0x20, s6, s12, $0xb8;
	[tilespmem:$0x10900] =	vst v63  }
0xbc: {  	s4 =	rddreg [dreg:$0xd]  }
0xbd: {  	[tilespmem:s31], [sflag:$0x3] =	stream.indirect.gather [spmem:s1], $0x20, s30, s12, $0xb8;
	[tilespmem:$0x10900] =	vst v63  }
0xbe: {  	s6 =	rddreg [dreg:$0xf]  }
0xbf: {  	[tilespmem:s4], [sflag:$0x3] =	stream.indirect.gather [spmem:s1], $0x20, s29, s12, $0xb8;
	[tilespmem:$0x10900] =	vst v63  }
0xc0: {  	s7 =	rddreg [dreg:$0x12]  }
0xc1: {  	[tilespmem:s14], [sflag:$0x3] =	stream.indirect.gather [spmem:s1], $0x20, s8, s12, $0xb8;
	[tilespmem:$0x10900] =	vst v63  }
0xc2: {  	s30 =	rddreg [dreg:$0x11]  }
0xc3: {  	[tilespmem:s0], [sflag:$0x3] =	stream.indirect.gather [spmem:s1], $0x20, s6, s12, $0xb8;
	[tilespmem:$0x10900] =	vst v63  }
0xc4: {  	s31 =	rddreg [dreg:$0x13]  }
0xc5: {  	[tilespmem:s7], [sflag:$0x3] =	stream.indirect.gather [spmem:s1], $0x20, s30, s12, $0xb8;
	[tilespmem:$0x10900] =	vst v63  }
0xc6: {  	s6 =	rddreg [dreg:$0x14]  }
0xc7: {  	[tilespmem:s6], [sflag:$0x3] =	stream.indirect.gather [spmem:s1], $0x20, s31, s12, $0xb8;
	[tilespmem:$0x10900] =	vst v63  }
0xc8: {  	_ =	swait.ge [sflag:s15], $0x1000  }
0xc9: {  	[sflag:s15] =	ssyncset.done $0x0  }
0xca: {  	[sflag:s15] =	ssyncadd.s32 $0xFFFFF000  }
0xcb: {  	_ =	swait.ge [sflag:s15], $0x1000  }
0xcc: {  	[sflag:s15] =	ssyncset.done $0x0  }
0xcd: {  	[sflag:s15] =	ssyncadd.s32 $0xFFFFF000  }
0xce: {  	_ =	swait.ge [sflag:s15], $0x1000  }
0xcf: {  	[sflag:s15] =	ssyncset.done $0x0  }
0xd0: {  	[sflag:s15] =	ssyncadd.s32 $0xFFFFF000  }
0xd1: {  	_ =	swait.ge [sflag:s15], $0x1000  }
0xd2: {  	[sflag:s15] =	ssyncset.done $0x0  }
0xd3: {  	[sflag:s15] =	ssyncadd.s32 $0xFFFFF000  }
0xd4: {  	_ =	swait.ge [sflag:s15], $0x1000  }
0xd5: {  	[sflag:s15] =	ssyncset.done $0x0  }
0xd6: {  	[sflag:s15] =	ssyncadd.s32 $0xFFFFF000  }
0xd7: {  	_ =	swait.ge [sflag:s15], $0x1000  }
0xd8: {  	[sflag:s15] =	ssyncset.done $0x0  }
0xd9: {  	[sflag:s15] =	ssyncadd.s32 $0xFFFFF000  }
0xda: {  	_ =	swait.ge [sflag:s15], $0x1000  }
0xdb: {  	[sflag:s15] =	ssyncset.done $0x0  }
0xdc: {  	[sflag:s15] =	ssyncadd.s32 $0xFFFFF000  }
0xdd: {  	s30 =	smin.u32 s28, $0x61;
	_ =	swait.ge [sflag:s15], $0x1000  }
0xde: {  	s4 =	sshll.u32 s30, $0xA;
	s29 =	rddreg [dreg:$0x4]  }
0xdf: {  	s0 =	sadd.s32 s4, s29  }
0xe0: {  	[sflag:s15] =	ssyncset.done $0x0;
	s0 =	sshrl.u32 s0, $0x3  }
0xe1: {  	s31 =	rddreg [dreg:$0x7];
	[sflag:s15] =	ssyncadd.s32 $0xFFFFF000;
	s0 =	sadd.s32 s3, s0  }
0xe2: {  	[tilespmem:s9], [sflag:$0x1] =	stream.linear.gather [hbm4b:s0+s2], $0x400, $0x38;
	[tilespmem:$0x10900] =	vst v63  }
0xe3: {  	s4 =	sadd.s32 s24, s31  }
0xe4: {  	[hbm4b:s4+s2] =	stream.linear.scatter [tilespmem:s13], [sflag:$0x4], $0x4000, $0x38;
	[tilespmem:$0x10900] =	vst v63  }
0xe5: {  	s0 =	sadd.s32 $0x800, s4  }
0xe6: {  	[hbm4b:s0+s2] =	stream.linear.scatter [tilespmem:s14], [sflag:$0x5], $0x4000, $0x38;
	[tilespmem:$0x10900] =	vst v63  }
0xe7: {  	_ =	swait.ge [sflag:s16], $0x400  }
0xe8: {  	[sflag:s16] =	ssyncset.done $0x0  }
0xe9: {  	s0 =	simm.s32 @!p2 $0x6;
	[sflag:s16] =	ssyncadd.s32 $0xFFFFFC00  }
0xea: {  	_ =	swait.ge @!p2 [sflag:s0], $0x4000  }
0xeb: {  	[sflag:s0] =	ssyncset.done @!p2 $0x0  }
0xec: {  	[sflag:s0] =	ssyncadd.s32 @!p2 $0xFFFFC000;
	s0 =	simm.s32 @!p2 $0x7  }
0xed: {  	_ =	swait.ge @!p2 [sflag:s0], $0x4000  }
0xee: {  	s4 =	sld [smem:$0x7FD]  }
0xef: {  	s6 =	rddreg [dreg:$0x18]  }
0xf0: {  	s7 =	rddreg [dreg:$0x1d]  }
0xf1: {  	s8 =	rddreg [dreg:$0x15]  }
0xf2: {  	s29 =	rddreg [dreg:$0x16]  }
0xf3: {  	[sflag:s0] =	ssyncset.done @!p2 $0x0;
	s30 =	rddreg [dreg:$0x19]  }
0xf4: {  	s31 =	rddreg [dreg:$0x1a];
	[sflag:s0] =	ssyncadd.s32 @!p2 $0xFFFFC000  }
0xf5: {  	[tilespmem:s17], [sflag:$0x3] =	stream.indirect.gather [spmem:s1], $0x20, s10, s12, $0xb8;
	[tilespmem:$0x10900] =	vst v63  }
0xf6: {  	s0 =	rddreg [dreg:$0x17]  }
0xf7: {  	[tilespmem:s29], [sflag:$0x3] =	stream.indirect.gather [spmem:s1], $0x20, s8, s12, $0xb8;
	[tilespmem:$0x10900] =	vst v63  }
0xf8: {  	s8 =	rddreg [dreg:$0x1f]  }
0xf9: {  	[tilespmem:s6], [sflag:$0x3] =	stream.indirect.gather [spmem:s1], $0x20, s0, s12, $0xb8;
	[tilespmem:$0x10900] =	vst v63  }
0xfa: {  	s29 =	rddreg [dreg:$0x1c]  }
0xfb: {  	[tilespmem:s31], [sflag:$0x3] =	stream.indirect.gather [spmem:s1], $0x20, s30, s12, $0xb8;
	[tilespmem:$0x10900] =	vst v63  }
0xfc: {  	s6 =	rddreg [dreg:$0x1b]  }
0xfd: {  	[tilespmem:s18], [sflag:$0x3] =	stream.indirect.gather [spmem:s1], $0x20, s6, s12, $0xb8;
	[tilespmem:$0x10900] =	vst v63  }
0xfe: {  	s30 =	rddreg [dreg:$0x1e]  }
0xff: {  	[tilespmem:s7], [sflag:$0x3] =	stream.indirect.gather [spmem:s1], $0x20, s29, s12, $0xb8;
	[tilespmem:$0x10900] =	vst v63  }
0x100: {  	s31 =	sld [smem:$0x7FC]  }
0x101: {  	[tilespmem:s8], [sflag:$0x3] =	stream.indirect.gather [spmem:s1], $0x20, s30, s12, $0xb8;
	[tilespmem:$0x10900] =	vst v63  }
0x102: {  	_ = 	snop  }
0x103: {  	[tilespmem:s4], [sflag:$0x3] =	stream.indirect.gather [spmem:s1], $0x20, s31, s12, $0xb8;
	[tilespmem:$0x10900] =	vst v63  }
0x104: {  	_ =	swait.ge [sflag:s15], $0x1000  }
0x105: {  	[sflag:s15] =	ssyncset.done $0x0  }
0x106: {  	[sflag:s15] =	ssyncadd.s32 $0xFFFFF000  }
0x107: {  	_ =	swait.ge [sflag:s15], $0x1000  }
0x108: {  	[sflag:s15] =	ssyncset.done $0x0  }
0x109: {  	[sflag:s15] =	ssyncadd.s32 $0xFFFFF000  }
0x10a: {  	_ =	swait.ge [sflag:s15], $0x1000  }
0x10b: {  	[sflag:s15] =	ssyncset.done $0x0  }
0x10c: {  	[sflag:s15] =	ssyncadd.s32 $0xFFFFF000  }
0x10d: {  	_ =	swait.ge [sflag:s15], $0x1000  }
0x10e: {  	[sflag:s15] =	ssyncset.done $0x0  }
0x10f: {  	[sflag:s15] =	ssyncadd.s32 $0xFFFFF000  }
0x110: {  	_ =	swait.ge [sflag:s15], $0x1000  }
0x111: {  	[sflag:s15] =	ssyncset.done $0x0  }
0x112: {  	s26 =	sadd.s32 $0x2000, s26;
	[sflag:s15] =	ssyncadd.s32 $0xFFFFF000  }
0x113: {  	p1 =	sne.s32 s26, $0x64000;
	_ =	swait.ge [sflag:s15], $0x1000  }
.Ltmp0:
0x114: {  	[sflag:s15] =	ssyncset.done $0x0;
	(pc) =	sbr.rel @p1 .LBB2_2-.Ltmp0, $4  }
0x115: {  	[sflag:s15] =	ssyncadd.s32 $0xFFFFF000  }
0x116: {  	_ =	swait.ge [sflag:s15], $0x1000  }
0x117: {  	[sflag:s15] =	ssyncset.done $0x0  }
0x118: {  	[sflag:s15] =	ssyncadd.s32 $0xFFFFF000  }
0x119: {  	_ =	swait.ge [sflag:s15], $0x1000  }
0x11a: {  	s4 =	sshll.u32 s25, $0xA;
	s0 =	rddreg [dreg:$0x5]  }
0x11b: {  	s0 =	sadd.s32 s4, s0  }
0x11c: {  	[sflag:s15] =	ssyncset.done $0x0;
	s0 =	sshrl.u32 s0, $0x3  }
0x11d: {  	s29 =	rddreg [dreg:$0x6];
	[sflag:s15] =	ssyncadd.s32 $0xFFFFF000;
	s0 =	sadd.s32 s3, s0  }
0x11e: {  	[tilespmem:s10], [sflag:$0x2] =	stream.linear.gather [hbm4b:s0+s2], $0x400, $0x38;
	[tilespmem:$0x10900] =	vst v63  }
0x11f: {  	s30 =	sadd.s32 s24, s29  }
0x120: {  	[hbm4b:s30+s2] =	stream.linear.scatter [tilespmem:s17], [sflag:$0x6], $0x4000, $0x38;
	[tilespmem:$0x10900] =	vst v63  }
0x121: {  	s0 =	sadd.s32 $0x800, s30  }
0x122: {  	[hbm4b:s0+s2] =	stream.linear.scatter [tilespmem:s18], [sflag:$0x7], $0x4000, $0x38;
	[tilespmem:$0x10900] =	vst v63  }
0x123: {  	_ =	swait.ge [sflag:s11], $0x400  }
0x124: {  	[sflag:s11] =	ssyncset.done $0x0  }
0x125: {  	[sflag:s11] =	ssyncadd.s32 $0xFFFFFC00  }
0x126: {  	_ =	swait.ge [sflag:s19], $0x4000  }
0x127: {  	[sflag:s19] =	ssyncset.done $0x0  }
0x128: {  	[sflag:s19] =	ssyncadd.s32 $0xFFFFC000  }
0x129: {  	_ =	swait.ge [sflag:s20], $0x4000  }
0x12a: {  	[sflag:s20] =	ssyncset.done $0x0  }
0x12b: {  	[sflag:s20] =	ssyncadd.s32 $0xFFFFC000  }
0x12c: {  	_ =	swait.ge [sflag:s16], $0x400  }
0x12d: {  	[sflag:s16] =	ssyncset.done $0x0  }
0x12e: {  	[sflag:s16] =	ssyncadd.s32 $0xFFFFFC00  }
0x12f: {  	_ =	swait.ge [sflag:s21], $0x4000  }
0x130: {  	[sflag:s21] =	ssyncset.done $0x0  }
0x131: {  	[sflag:s21] =	ssyncadd.s32 $0xFFFFC000  }
0x132: {  	_ =	swait.ge [sflag:s22], $0x4000  }
0x133: {  	s31 =	sld [smem:$0x7FA];
	_ =	sdelay $0x1  }
0x134: {  	s23 =	sadd.s32 $0x1, s23  }
0x135: {  	p1 =	sne.s32 s23, s31  }
.Ltmp1:
0x136: {  	_ = 	snop;
	(pc) =	sbr.rel @p1 .LBB2_1-.Ltmp1, $3  }
0x137: {  	_ =	sdelay $0x1  }
0x138: {  	[sflag:s22] =	ssyncset.done $0x0  }
0x139: {  	[sflag:s22] =	ssyncadd.s32 $0xFFFFC000  }
0x13a: {  	_ =	sfence.sel $0x180000  }
0x13b: {  	[bflag:$0x0] =	sbarrier.arrive $0xFFFF  }
0x13c: {  	_ =	strace $0x90000047  }
0x13d: {  	[bflag:$0x2] =	sbarrier.arrive $0xFFFF  }
0x13e: {  	s0 =	rddreg [dreg:$0x3]  }
0x13f: {  	s0 =	sadd.s32 @!p0 $0x100000, s0  }
0x140: {  	[sflag:s0] =	ssyncadd.tile.s32 @!p0 $0x1;
	_ =	shalt  }
.Lfunc_end2:
_tile_overlayer_lowered:
.L_overlay_start_2:
0x141: {  	(tag) =	ssettag $0x2  }
0x142: {  	s0 =	rddreg [dreg:$0x0];
	s2 =	stileid.u32  }
0x143: {  	s1 =	rddreg [dreg:$0x1];
	p0 =	sne.s32 s2, $0x0  }
0x144: {  	s3 =	rddreg [dreg:$0x2];
	[bflag:$0x3] =	sbarrier.arrive $0xFFFF;
	s2 =	simm.s32 @!p0 $0x1C08  }
0x145: {  	[timem:s3], [sflag:s2] =	dma.local @!p0 [hbm:s0], s1  }
0x146: {  	s0 =	simm.s32 @!p0 $0x8  }
0x147: {  	_ =	swait.ge @!p0 [sflag:s0], s1  }
0x148: {  	s1 =	ssub.s32 @!p0 $0x0, s1;
	[sflag:s0] =	ssyncset.done @!p0 $0x0  }
0x149: {  	[sflag:s0] =	ssyncadd.s32 @!p0 s1  }
0x14a: {  	[bflag:$0x3] =	sbarrier.arrive $0xFFFF  }
0x14b: {  	_ =	shalt  }

// kernel: sparse-core-data-format-call.cloned.1.call-start
scs
called_computation_lowered:
.L_overlay_start_0:
0x0: {  	s2 =	sld [smem:$0x3FD9]  }
0x1: {  	s3 =	sld [smem:$0x3FFE];
	_ =	sdelay $0x1  }
0x2: {  	s1 =	srdreg.scid  }
0x3: {  	s0 =	sand.u32 $0x1, s1  }
0x4: {  	s18 =	sshll.u32 s0, $0xA;
	s2 =	sadd.s32 s3, s2  }
0x5: {  	s2 =	sadd.s32 s2, s18  }
0x6: {  	[smem:$0x3FC6] =	sst s2  }
0x7: {  	_ = 	snop  }
0x8: {  	s2 =	sld [smem:$0x3FD0];
	(tm) =	ssettm $0x1  }
0x9: {  	s19 =	sld [smem:$0x3FFB];
	_ =	sdelay $0x3  }
0xa: {  	_ =	strace s19  }
0xb: {  	s3 =	sld [smem:$0x3FFC];
	_ =	sdelay $0x3  }
0xc: {  	_ =	strace s3  }
0xd: {  	s3 =	sld [smem:$0x3FFD];
	_ =	sdelay $0x3  }
0xe: {  	_ =	strace s3  }
0xf: {  	_ =	strace $0x8FFFFFFF  }
0x10: {  	s20 =	sld [smem:$0x3FDB];
	_ =	sdelay $0x1  }
0x11: {  	s4 =	simm.s32 $_scs_section_size  }
0x12: {  	s5 =	simm.s32 $_size__tile_overlayer_lowered;
	s6 =	simm.s32 $_tile_overlayer_lowered  }
0x13: {  	s23 =	simm.s32 $0x1BFF;
	s22 =	sshll.u32 s6, $0x1;
	s3 =	sadd.s32 s4, s20  }
0x14: {  	s7 =	simm.s32 $0x0;
	s21 =	sshll.u32 s5, $0x1;
	s5 =	sadd.s32 s22, s3  }
0x15: {  	[timem:s7], [sflag:s23] =	dma.local [hbm:s5], s21  }
0x16: {  	_ =	swait.ge [sflag:s23], s21  }
0x17: {  	s4 =	ssub.s32 $0x0, s21;
	[sflag:s23] =	ssyncset.done $0x0  }
0x18: {  	[sflag:s23] =	ssyncadd.s32 s4;
	_ =	sdelay $0x1  }
0x19: {  	s24 =	simm.s32 $0x1B8B  }
0x1a: {  	_ =	swait.ge [sflag:s24], $0x1  }
0x1b: {  	[sflag:s24] =	ssyncset.done $0x0  }
0x1c: {  	s26 =	simm.s32 $0x1B8E;
	s25 =	sld [smem:$0x3FFE];
	[sflag:s24] =	ssyncadd.s32 $0xFFFFFFFF  }
0x1d: {  	s27 =	simm.s32 $execute0_lowered;
	[smem:$0x3FD2] =	sst s26  }
0x1e: {  	s5 =	sshll.u32 s27, $0x1;
	_ =	strace $0x80000049;
	[dreg:$0x1] =	wrdreg $0xFFFFFFFF  }
0x1f: {  	s28 =	simm.s32 $_size_execute0_lowered;
	s3 =	sadd.s32 s3, s5;
	[dreg:$0x0] =	wrdreg $0x0  }
0x20: {  	s5 =	sshll.u32 s28, $0x1;
	[dreg:$0x2] =	wrdreg s3  }
0x21: {  	[dreg:$0x3] =	wrdreg s5  }
0x22: {  	[dreg:$0x4] =	wrdreg $0xC0  }
0x23: {  	_ =	task [dreg:s7], $0x5FFFF  }
0x24: {  	[dreg:$0x1] =	wrdreg $0xFFFFFFFF  }
0x25: {  	[dreg:$0x0] =	wrdreg $0x60  }
0x26: {  	[dreg:$0x2] =	wrdreg s25  }
0x27: {  	[dreg:$0x3] =	wrdreg s2  }
0x28: {  	[dreg:$0x4] =	wrdreg $0x9  }
0x29: {  	_ =	task.clear_ibuf [dreg:s7], $0x5FFFF;
	_ =	strace $0x90000049  }
0x2a: {  	s29 =	simm.s32 $0x9;
	_ =	strace $0x8000004B  }
0x2b: {  	_ =	swait.ge [sflag:s29], $0x1  }
0x2c: {  	[sflag:s29] =	ssyncadd.s32 $0xFFFFFFFF  }
0x2d: {  	_ =	strace $0x9000004B  }
0x2e: {  	_ =	sfence  }
0x2f: {  	s30 =	sld [smem:$0x0];
	_ =	sdelay $0x2  }
0x30: {  	s31 =	sshll.u32 s1, $0xD;
	s1 =	sshrl.u32 s1, $0x2  }
0x31: {  	s3 =	sand.u32 $0x4000, s31;
	s1 =	sadd.s32 s1, s30  }
0x32: {  	s0 =	sor.u32 s3, s0;
	s1 =	sshll.u32 s1, $0x11  }
0x33: {  	s0 =	sor.u32 s1, s0  }
0x34: {  	s0 =	sadd.s32 $0x8F2B, s0  }
0x35: {  	[sflag:s0] =	ssyncadd.remote.s32 $0x1  }
0x36: {  	_ =	sfence.sel $0xFFFF  }
0x37: {  	[dreg:$0x0] =	wrdreg $0xFFFFFFFF;
	(pc) =	sbr.abs _section_cstart, $3  }
0x38: {  	[dreg:$0x1] =	wrdreg $0xFFFFFFFF  }
0x39: {  	_ =	task.clear_ibuf [dreg:s7], $0x2FFFF;
	_ =	strace $0x9FFFFFFF  }
0x3a: {  	(tm) =	ssettm $0x7FFFFFFF  }
0x3b: {  	_ =	shalt  }
tec
execute0_lowered:
.L_overlay_start_1:
0x0: {  	(tag) =	ssettag $0x1  }
0x1: {  	s0 =	srdreg.scid  }
0x2: {  	s1 =	sshll.u32 s0, $0x4  }
0x3: {  	s0 =	stileid.u32;
	s1 =	sand.u32 $0x10, s1  }
0x4: {  	s1 =	sor.u32 s0, s1  }
0x5: {  	s6 =	rddreg [dreg:$0x0];
	s4 =	simm.s32 $0x1;
	s2 =	sshll.u32 s1, $0x7  }
0x6: {  	s7 =	simm.s32 $0x2;
	s12 =	simm.s32 $0x0;
	s1 =	ssub.s32 $0x4000, s2  }
0x7: {  	s8 =	simm.s32 $0x20000;
	s13 =	simm.s32 $0x0;
	s3 =	sand.u32 $0xF80, s1  }
0x8: {  	s9 =	simm.s32 $0x0;
	s5 =	sshrl.u32 s1, $0xC;
	p0 =	sne.s32 s3, $0x0  }
.Ltmp0:
0x9: {  	s1 =	rddreg [dreg:$0x2];
	s4 =	simm.s32 @!p0 $0x0;
	(pc) =	sbr.rel .LBB1_1-.Ltmp0, $4  }
0xa: {  	s11 =	simm.s32 $0x0;
	s3 =	rddreg [dreg:$0x1];
	s5 =	sadd.s32 s4, s5  }
0xb: {  	_ =	strace $0x8000004A;
	s4 =	simm.s32 $0x1;
	s5 =	smul.u32 $0xC8, s5  }
0xc: {  	s6 =	sadd.s32 $0x800, s6;
	s10 =	smov.u32 s2;
	[sflag:s4] =	ssyncpa.u1 $0x0  }
0xd: {  	p0 =	por $0x0, $0x0;
	[sflag:s7] =	ssyncpa.u1 $0x0;
	s7 =	sor.u32 $0x1, s5  }
.LBB1_4:
0xe: {  	s16 =	sshll.u32 s13, $0x3;
	s17 =	sand.u32 $0x78, s13  }
0xf: {  	s30 =	sand.u32 $0xF800, s13;
	s12 =	sshll.u32 s12, $0x10;
	s16 =	sand.u32 $0x3C00, s16  }
0x10: {  	s31 =	sand.u32 $0x7, s13;
	s16 =	sor.u32 s17, s16;
	s17 =	sadd.s32 s3, s30  }
0x11: {  	s13 =	sshll.u32 s31, $0x12;
	s16 =	sshrl.u32 s16, $0x3;
	s12 =	sadd.s32 s12, s17  }
0x12: {  	[tilespmem:s15+$0x0 ss:$0x81] =	vst.msk $0xffff, v0;
	s13 =	sor.u32 $0x400, s13;
	s12 =	sadd.s32 s16, s12  }
0x13: {  	[hbm4b:s12+s13] =	stream.strided.scatter [tilespmem:s14], [sflag:$0x2], $0x1000, s8, s13, $0x20;
	[tilespmem:$0x4040] =	vst v63  }
.LBB1_5:
0x14: {  	s14 =	sadd.s32 $0x1, s9  }
0x15: {  	s12 =	sadd.s32 $0x1000, s10;
	s16 =	smov.u32 s10;
	p2 =	sgt.s32 s14, $0xC7  }
0x16: {  	s16 =	smov.u32 @p2 s12  }
0x17: {  	s14 =	simm.s32 @p2 $0x0;
	p2 =	sgt.s32 s16, $0x3FFF  }
0x18: {  	s16 =	smov.u32 @p2 s2;
	p2 =	sne.s32 s11, s7  }
.Ltmp1:
0x19: {  	p1 =	slt.u32 s11, $0x2;
	(pc) =	sbr.rel @!p2 .LBB1_6-.Ltmp1, $4  }
0x1a: {  	s15 =	simm.s32 @!p1 $0x2  }
0x1b: {  	s13 =	smov.u32 s10;
	p0 =	por !p0, !p0;
	_ =	swait.ge @!p1 [sflag:s15], $0x1000  }
0x1c: {  	s12 =	smov.u32 s9;
	[sflag:s15] =	ssyncset.done @!p1 $0x0;
	s9 =	smov.u32 s14  }
0x1d: {  	s11 =	sadd.s32 $0x1, s11;
	[sflag:s15] =	ssyncadd.s32 @!p1 $0xFFFFF000;
	s10 =	smov.u32 s16  }
.LBB1_1:
0x1e: {  	p1 =	sge.u32 s11, s5  }
0x1f: {  	s14 =	sand.u32 @!p1 $0x1FFFFFF, s9  }
0x20: {  	s15 =	smulhi.u32 @!p1 $0x147AE15, s14;
	_ =	sdelay $0x1  }
0x21: {  	s15 =	smul.u32 @!p1 $0xC8, s15  }
0x22: {  	s16 =	sxor.u32 @!p1 $0xFFFFFFFF, s11;
	s17 =	smul.u32 @!p1 $0xC80, s10  }
0x23: {  	s31 =	sadd.s32 $0xFFFFFFFF, s11;
	s16 =	sshll.u32 @!p1 s16, $0xC;
	s14 =	ssub.s32 @!p1 s14, s15  }
0x24: {  	s15 =	sand.u32 @!p1 $0x1000, s16;
	s16 =	sadd.s32 @!p1 s6, s17;
	s14 =	sshll.u32 @!p1 s14, $0x4  }
0x25: {  	s17 =	simm.s32 @!p1 $0x6400;
	s14 =	sadd.s32 @!p1 s14, s16;
	s16 =	simm.s32 @!p1 $0x20  }
0x26: {  	[tilespmem:s15], [sflag:$0x1] =	stream.strided.gather @!p1 [hbm4b:s14+s16], $0x1000, s17, s16, $0x38;
	[tilespmem:$0x4040] =	vst v63  }
0x27: {  	p1 =	sge.u32 s31, s5  }
.Ltmp2:
0x28: {  	_ = 	snop;
	(pc) =	sbr.rel @p1 .LBB1_5-.Ltmp2, $1  }
0x29: {  	_ =	sdelay $0x3  }
0x2a: {  	s14 =	simm.s32 $0x1  }
0x2b: {  	_ =	swait.ge [sflag:s4], $0x1000;
	s14 =	simm.s32 @!p0 $0x0  }
0x2c: {  	[sflag:s4] =	ssyncset.done $0x0;
	s15 =	sshll.u32 s14, $0xC  }
0x2d: {  	[sflag:s4] =	ssyncadd.s32 $0xFFFFF000;
	s18 =	sor.u32 $0x10, s15  }
0x2e: {  	s14 =	smul.u32 $0x4080, s14;
	v1 =	vld [tilespmem:s18+$0x0]  }
0x2f: {  	s30 =	sand.u32 $0x1, s11;
	v0 =	vld [tilespmem:s18+$0xFFFFFFF0]  }
0x30: {  	s15 =	smul.u32 $0x4080, s30;
	s14 =	sshrl.u32 s14, $0x2  }
0x31: {  	s16 =	sor.u32 $0x2000, s14  }
0x32: {  	s31 =	sshrl.u32 s15, $0x2;
	s15 =	sadd.s32 $0x0, s16  }
0x33: {  	s17 =	simm.s32 $0x4;
	s18 =	sadd.s32 $0x20, s18;
	s14 =	sor.u32 $0x2000, s31;
	[tilespmem:s15+$0x810 ss:$0x81] =	vst.msk $0xffff, v1  }
.LBB1_3:
0x34: {  	v1 =	vld [tilespmem:s18+$0x0];
	p1 =	sne.s32 s17, $0x1FC;
	[tilespmem:s15+$0x0 ss:$0x81] =	vst.msk $0xffff, v0;
	s15 =	smov.u32 s17;
	s17 =	sadd.s32 $0x4, s17  }
.Ltmp3:
0x35: {  	v0 =	vld [tilespmem:s18+$0xFFFFFFF0];
	(pc) =	sbr.rel @p1 .LBB1_3-.Ltmp3, $4  }
0x36: {  	_ = 	snop  }
0x37: {  	s15 =	sshra.s32 s15, $0x2  }
0x38: {  	s15 =	sadd.s32 s15, s16  }
0x39: {  	s18 =	sadd.s32 $0x20, s18;
	[tilespmem:s15+$0x810 ss:$0x81] =	vst.msk $0xffff, v1  }
.Ltmp4:
0x3a: {  	_ = 	snop;
	(pc) =	sbr.rel .LBB1_4-.Ltmp4, $1  }
0x3b: {  	_ =	sdelay $0x3  }
.LBB1_6:
0x3c: {  	_ =	sfence.sel $0x180000  }
0x3d: {  	s2 =	simm.s32 $0x1;
	[bflag:$0x0] =	sbarrier.arrive $0xFFFF  }
0x3e: {  	s31 =	simm.s32 $0x2;
	[sflag:s2] =	ssyncpa.u1 $0x1  }
0x3f: {  	[sflag:s31] =	ssyncpa.u1 $0x1  }
0x40: {  	p0 =	sne.s32 s0, $0x0;
	_ =	strace $0x9000004A  }
0x41: {  	s0 =	sadd.s32 @!p0 $0x100000, s1;
	[bflag:$0x2] =	sbarrier.arrive $0xFFFF  }
0x42: {  	[sflag:s0] =	ssyncadd.tile.s32 @!p0 $0x1;
	_ =	shalt  }
.Lfunc_end1:
_tile_overlayer_lowered:
.L_overlay_start_2:
0x43: {  	(tag) =	ssettag $0x2  }
0x44: {  	s0 =	rddreg [dreg:$0x0];
	s2 =	stileid.u32  }
0x45: {  	s1 =	rddreg [dreg:$0x1];
	p0 =	sne.s32 s2, $0x0  }
0x46: {  	s3 =	rddreg [dreg:$0x2];
	[bflag:$0x3] =	sbarrier.arrive $0xFFFF;
	s2 =	simm.s32 @!p0 $0x1C01  }
0x47: {  	[timem:s3], [sflag:s2] =	dma.local @!p0 [hbm:s0], s1  }
0x48: {  	s0 =	simm.s32 @!p0 $0x1  }
0x49: {  	_ =	swait.ge @!p0 [sflag:s0], s1  }
0x4a: {  	s1 =	ssub.s32 @!p0 $0x0, s1;
	[sflag:s0] =	ssyncset.done @!p0 $0x0  }
0x4b: {  	[sflag:s0] =	ssyncadd.s32 @!p0 s1  }
0x4c: {  	[bflag:$0x3] =	sbarrier.arrive $0xFFFF  }
0x4d: {  	_ =	shalt  }

</sc_bundles>
